<compile_context>
chip_gen: v7x
topology: tpu7x:2x2x1
jax: 0.10.2.dev20260603
libtpu: 0.0.44.dev20260713+nightly
codegen_flags: <defaults>
</compile_context>

<pallas_src>
import functools

import jax
import jax.numpy as jnp
from jax import lax
from jax.experimental import pallas as pl
from jax.experimental.pallas import tpu as pltpu
from jax.experimental.pallas import tpu_sc as plsc

LANES = 16
NC = 2
NS = 16
NW = NC * NS

CHUNK = 1280
D = 32

_DNUMS = lax.GatherDimensionNumbers(
    offset_dims=(), collapsed_slice_dims=(0,), start_index_map=(0,)
)


def _fix_padding(idx_v, rows_v):

    def detect_body(g, acc):
        v = idx_v[pl.ds(g * LANES, LANES)]
        return jnp.minimum(acc, v)

    min_idx = lax.fori_loop(
        0,
        CHUNK // LANES,
        detect_body,
        jnp.full((LANES,), 1, jnp.int32),
        unroll=8,
    )
    n_pad = jnp.min(min_idx)

    @pl.when(n_pad == 0)
    def _():
        def mask_body(g, carry):
            v = idx_v[pl.ds(g * LANES, LANES)]
            fmask = jnp.where(v == 0, 0.0, 1.0).astype(jnp.float32)
            for r in range(LANES):
                m = lax.gather(
                    fmask,
                    jnp.full((LANES, 1), r, jnp.int32),
                    _DNUMS,
                    (1,),
                    mode=lax.GatherScatterMode.PROMISE_IN_BOUNDS,
                )
                rr = g * LANES + r
                rows_v[rr, pl.ds(0, LANES)] = rows_v[rr, pl.ds(0, LANES)] * m
                rows_v[rr, pl.ds(LANES, LANES)] = (
                    rows_v[rr, pl.ds(LANES, LANES)] * m
                )
            return carry

        lax.fori_loop(0, CHUNK // LANES, mask_body, 0)


def _emb_body(idx_hbm, tab_hbm, out_hbm,
              idx0_v, idx1_v, rows0_v, rows1_v,
              sem_g0, sem_g1, sem_o0, sem_o1):
    wid = lax.axis_index("s") * NC + lax.axis_index("c")
    n_rows = idx_hbm.shape[0]
    rows_per_w = n_rows // NW
    n_chunks = rows_per_w // CHUNK
    row0 = pl.multiple_of(wid * rows_per_w, 8)

    idx_bufs = (idx0_v, idx1_v)
    rows_bufs = (rows0_v, rows1_v)
    sems_g = (sem_g0, sem_g1)
    sems_o = (sem_o0, sem_o1)

    def stage_and_fire(c, b):
        rbase = pl.multiple_of(row0 + c * CHUNK, 8)
        pltpu.sync_copy(idx_hbm.at[pl.ds(rbase, CHUNK)], idx_bufs[b])
        pltpu.async_copy(tab_hbm.at[idx_bufs[b]], rows_bufs[b], sems_g[b])

    def drain_gathers(c, b):
        rbase = pl.multiple_of(row0 + c * CHUNK, 8)
        pltpu.make_async_copy(
            out_hbm.at[pl.ds(rbase, CHUNK), pl.ds(0, D)],
            rows_bufs[b],
            sems_g[b],
        ).wait()

    def fire_out(c, b):
        rbase = pl.multiple_of(row0 + c * CHUNK, 8)
        pltpu.async_copy(
            rows_bufs[b],
            out_hbm.at[pl.ds(rbase, CHUNK), pl.ds(0, D)],
            sems_o[b],
        )

    def drain_out(c, b):
        rbase = pl.multiple_of(row0 + c * CHUNK, 8)
        pltpu.make_async_copy(
            rows_bufs[b],
            out_hbm.at[pl.ds(rbase, CHUNK), pl.ds(0, D)],
            sems_o[b],
        ).wait()

    def chunk_step(c, b, p):
        ob = 1 - b

        @pl.when(c + 1 < n_chunks)
        def _():
            @pl.when(p > 0)
            def _():
                drain_out(c - 1, ob)

            stage_and_fire(c + 1, ob)

        drain_gathers(c, b)
        _fix_padding(idx_bufs[b], rows_bufs[b])
        fire_out(c, b)

    stage_and_fire(0, 0)

    def pair_body(p, carry):
        chunk_step(2 * p, 0, p)
        chunk_step(2 * p + 1, 1, p + 1)
        return carry

    lax.fori_loop(0, n_chunks // 2, pair_body, 0)
    drain_out(n_chunks - 2, 0)
    drain_out(n_chunks - 1, 1)


def kernel(x, weight):
    b, s = x.shape
    n_rows = b * s
    idx = x.reshape(n_rows).astype(jnp.int32)

    mesh = plsc.VectorSubcoreMesh(core_axis_name="c", subcore_axis_name="s")
    fn = functools.partial(
        pl.kernel,
        mesh=mesh,
        out_type=jax.ShapeDtypeStruct((n_rows, 128), jnp.float32),
        scratch_types=[
            pltpu.VMEM((CHUNK,), jnp.int32),
            pltpu.VMEM((CHUNK,), jnp.int32),
            pltpu.VMEM((CHUNK, D), jnp.float32),
            pltpu.VMEM((CHUNK, D), jnp.float32),
            pltpu.SemaphoreType.DMA,
            pltpu.SemaphoreType.DMA,
            pltpu.SemaphoreType.DMA,
            pltpu.SemaphoreType.DMA,
        ],
        compiler_params=pltpu.CompilerParams(
            use_tc_tiling_on_sc=False, needs_layout_passes=False
        ),
    )(_emb_body)
    out = fn(idx, weight)
    return out[:, :D].reshape(b, s, D)

# --- scband reference (transcript-rebuilt; emitter-appended) ---
"""Pipeline reference for scband-tag-embedding-75033078661551 (READ-ONLY COPY).

The authoritative reference and input builder live on the scoring server;
editing this copy changes nothing except your own understanding.
"""

import jax, jax.numpy as jnp
import numpy as np

N_ITEM = 1000000
LATENT_DIM = 32
BATCH = 4096
SEQ_LEN = 200

def setup_inputs(seed: int = 0) -> dict:
    key = jax.random.key(seed)
    k1, k2 = jax.random.split(key)
    x = jax.random.randint(k1, (BATCH, SEQ_LEN), 0, N_ITEM + 1, dtype=jnp.int64 if jax.config.jax_enable_x64 else jnp.int32)
    weight = jax.random.normal(k2, (N_ITEM + 1, LATENT_DIM), dtype=jnp.float32) * 0.01
    return {"x": x, "weight": weight}

def reference(x, weight):
    # nn.Embedding with padding_idx=0: row 0 is zeroed
    w = weight.at[0].set(0.0)
    return jnp.take(w, x, axis=0)

if __name__ == "__main__":
    import jax
    _d = setup_inputs()
    print(jax.jit(kernel)(*tuple(_d.values())))

</pallas_src>

<mosaic_0001>
#map = affine_map<(d0, d1) -> (0)>
#map1 = affine_map<(d0, d1) -> (0, 0)>
module attributes {stable_mosaic.version = 14 : i64} {
  func.func @_emb_body(%arg0: i32, %arg1: i32, %arg2: memref<819200xi32, #tpu.memory_space<hbm>>, %arg3: memref<1000001x32xf32, #tpu.memory_space<hbm>>, %arg4: memref<819200x128xf32, #tpu.memory_space<hbm>>, %arg5: memref<1280xi32, #tpu.memory_space<vmem>>, %arg6: memref<1280xi32, #tpu.memory_space<vmem>>, %arg7: memref<1280x32xf32, #tpu.memory_space<vmem>>, %arg8: memref<1280x32xf32, #tpu.memory_space<vmem>>, %arg9: memref<!tpu.dma_semaphore, #tpu.memory_space<semaphore_mem>>, %arg10: memref<!tpu.dma_semaphore, #tpu.memory_space<semaphore_mem>>, %arg11: memref<!tpu.dma_semaphore, #tpu.memory_space<semaphore_mem>>, %arg12: memref<!tpu.dma_semaphore, #tpu.memory_space<semaphore_mem>>) attributes {dimension_semantics = [#tpu.dimension_semantics<core_parallel>, #tpu.dimension_semantics<subcore_parallel>], iteration_bounds = array<i64: 2, 16>, scalar_prefetch = 0 : i64, scratch_operands = 8 : i64, tpu.core_type = #tpu.core_type<sc_vector_subcore>, window_params = [{transform_indices = #map}, {transform_indices = #map1}, {transform_indices = #map1}]} {
    %mul3A = arith.constant 2 : i32
    %mul3A_0 = arith.muli %arg1, %mul3A : i32
    %add3A = arith.addi %mul3A_0, %arg0 : i32
    %mul3A_1 = arith.constant 25600 : i32
    %mul3A_2 = arith.muli %add3A, %mul3A_1 : i32
    %multiple_of3A = tpu.assume_multiple %mul3A_2, 8 : i32
    %add3A_3 = arith.constant 0 : i32
    %add3A_4 = arith.addi %multiple_of3A, %add3A_3 : i32
    %multiple_of3A_5 = tpu.assume_multiple %add3A_4, 8 : i32
    "tpu.region"() ({
      %run_scoped3A = tpu.sem_alloc : memref<!tpu.dma_semaphore, #tpu.memory_space<semaphore_mem>>
      %dma_start3A_26 = tpu.memref_slice %arg2[%multiple_of3A_5] : memref<819200xi32, #tpu.memory_space<hbm>> -> memref<1280xi32, #tpu.memory_space<hbm>>
      %dma_start3A_27 = tpu.memref_slice %arg2[%multiple_of3A_5] : memref<819200xi32, #tpu.memory_space<hbm>> -> memref<1280xi32, #tpu.memory_space<hbm>>
      tpu.enqueue_dma source(%dma_start3A_27 : memref<1280xi32, #tpu.memory_space<hbm>>) target(%arg5 : memref<1280xi32, #tpu.memory_space<vmem>>) target_semaphore(%run_scoped3A : memref<!tpu.dma_semaphore, #tpu.memory_space<semaphore_mem>>)
      %dma_wait3A_28 = tpu.memref_slice %arg2[%multiple_of3A_5] : memref<819200xi32, #tpu.memory_space<hbm>> -> memref<1280xi32, #tpu.memory_space<hbm>>
      %dma_wait3A_29 = tpu.memref_slice %arg2[%multiple_of3A_5] : memref<819200xi32, #tpu.memory_space<hbm>> -> memref<1280xi32, #tpu.memory_space<hbm>>
      tpu.wait_dma2 semaphore(%run_scoped3A : memref<!tpu.dma_semaphore, #tpu.memory_space<semaphore_mem>>) src(%dma_wait3A_29 : memref<1280xi32, #tpu.memory_space<hbm>>) dst(%arg5 : memref<1280xi32, #tpu.memory_space<vmem>>)
      tpu.yield
    }) : () -> ()
    %dma_start3A = arith.constant 0 : i32
    %dma_start3A_6 = arith.constant 0 : i32
    %dma_start3A_7 = tpu.memref_slice %arg3[%dma_start3A, %dma_start3A_6] : memref<1000001x32xf32, #tpu.memory_space<hbm>> -> memref<1000001x32xf32, #tpu.memory_space<hbm>>
    tpu.enqueue_indirect_dma source(%dma_start3A_7 : memref<1000001x32xf32, #tpu.memory_space<hbm>>) target(%arg7 : memref<1280x32xf32, #tpu.memory_space<vmem>>) offsets(%arg5 : memref<1280xi32, #tpu.memory_space<vmem>>) semaphore(%arg9 : memref<!tpu.dma_semaphore, #tpu.memory_space<semaphore_mem>>)
    %scan3A = arith.constant 0 : i32
    %scan3A_8 = arith.constant 0 : i32
    %scan3A_9 = arith.constant 10 : i32
    %scan3A_10 = arith.addi %scan3A_8, %scan3A_9 : i32
    %scan3A_11 = arith.constant 1 : i32
    scf.for %scan3A_26 = %scan3A_8 to %scan3A_10 step %scan3A_11  : i32 {
      %mul3A_27 = arith.constant 2 : i32
      %mul3A_28 = arith.muli %mul3A_27, %scan3A_26 : i32
      %add3A_29 = arith.constant 1 : i32
      %add3A_30 = arith.addi %mul3A_28, %add3A_29 : i32
      %lt3A = arith.constant 20 : i32
      %lt3A_31 = arith.cmpi slt, %add3A_30, %lt3A : i32
      %convert_element_type3A = arith.extui %lt3A_31 : i1 to i32
      %cond3A = arith.constant 0 : i32
      %cond3A_32 = arith.cmpi ne, %convert_element_type3A, %cond3A : i32
      scf.if %cond3A_32 {
        %gt3A = arith.constant 0 : i32
        %gt3A_117 = arith.cmpi sgt, %scan3A_26, %gt3A : i32
        %convert_element_type3A_118 = arith.extui %gt3A_117 : i1 to i32
        %cond3A_119 = arith.constant 0 : i32
        %cond3A_120 = arith.cmpi ne, %convert_element_type3A_118, %cond3A_119 : i32
        scf.if %cond3A_120 {
          %sub3A = arith.constant 1 : i32
          %sub3A_130 = arith.subi %mul3A_28, %sub3A : i32
          %mul3A_131 = arith.constant 1280 : i32
          %mul3A_132 = arith.muli %sub3A_130, %mul3A_131 : i32
          %add3A_133 = arith.addi %multiple_of3A, %mul3A_132 : i32
          %multiple_of3A_134 = tpu.assume_multiple %add3A_133, 8 : i32
          %dma_wait3A_135 = arith.constant 0 : i32
          %dma_wait3A_136 = tpu.memref_slice %arg4[%multiple_of3A_134, %dma_wait3A_135] : memref<819200x128xf32, #tpu.memory_space<hbm>> -> memref<1280x32xf32, #tpu.memory_space<hbm>>
          %dma_wait3A_137 = arith.constant 0 : i32
          %dma_wait3A_138 = tpu.memref_slice %arg4[%multiple_of3A_134, %dma_wait3A_137] : memref<819200x128xf32, #tpu.memory_space<hbm>> -> memref<1280x32xf32, #tpu.memory_space<hbm>>
          tpu.wait_dma2 semaphore(%arg12 : memref<!tpu.dma_semaphore, #tpu.memory_space<semaphore_mem>>) src(%arg8 : memref<1280x32xf32, #tpu.memory_space<vmem>>) dst(%dma_wait3A_138 : memref<1280x32xf32, #tpu.memory_space<hbm>>)
        } else {
        }
        %add3A_121 = arith.constant 1 : i32
        %add3A_122 = arith.addi %mul3A_28, %add3A_121 : i32
        %mul3A_123 = arith.constant 1280 : i32
        %mul3A_124 = arith.muli %add3A_122, %mul3A_123 : i32
        %add3A_125 = arith.addi %multiple_of3A, %mul3A_124 : i32
        %multiple_of3A_126 = tpu.assume_multiple %add3A_125, 8 : i32
        "tpu.region"() ({
          %run_scoped3A = tpu.sem_alloc : memref<!tpu.dma_semaphore, #tpu.memory_space<semaphore_mem>>
          %dma_start3A_130 = tpu.memref_slice %arg2[%multiple_of3A_126] : memref<819200xi32, #tpu.memory_space<hbm>> -> memref<1280xi32, #tpu.memory_space<hbm>>
          %dma_start3A_131 = tpu.memref_slice %arg2[%multiple_of3A_126] : memref<819200xi32, #tpu.memory_space<hbm>> -> memref<1280xi32, #tpu.memory_space<hbm>>
          tpu.enqueue_dma source(%dma_start3A_131 : memref<1280xi32, #tpu.memory_space<hbm>>) target(%arg6 : memref<1280xi32, #tpu.memory_space<vmem>>) target_semaphore(%run_scoped3A : memref<!tpu.dma_semaphore, #tpu.memory_space<semaphore_mem>>)
          %dma_wait3A_132 = tpu.memref_slice %arg2[%multiple_of3A_126] : memref<819200xi32, #tpu.memory_space<hbm>> -> memref<1280xi32, #tpu.memory_space<hbm>>
          %dma_wait3A_133 = tpu.memref_slice %arg2[%multiple_of3A_126] : memref<819200xi32, #tpu.memory_space<hbm>> -> memref<1280xi32, #tpu.memory_space<hbm>>
          tpu.wait_dma2 semaphore(%run_scoped3A : memref<!tpu.dma_semaphore, #tpu.memory_space<semaphore_mem>>) src(%dma_wait3A_133 : memref<1280xi32, #tpu.memory_space<hbm>>) dst(%arg6 : memref<1280xi32, #tpu.memory_space<vmem>>)
          tpu.yield
        }) : () -> ()
        %dma_start3A_127 = arith.constant 0 : i32
        %dma_start3A_128 = arith.constant 0 : i32
        %dma_start3A_129 = tpu.memref_slice %arg3[%dma_start3A_127, %dma_start3A_128] : memref<1000001x32xf32, #tpu.memory_space<hbm>> -> memref<1000001x32xf32, #tpu.memory_space<hbm>>
        tpu.enqueue_indirect_dma source(%dma_start3A_129 : memref<1000001x32xf32, #tpu.memory_space<hbm>>) target(%arg8 : memref<1280x32xf32, #tpu.memory_space<vmem>>) offsets(%arg6 : memref<1280xi32, #tpu.memory_space<vmem>>) semaphore(%arg10 : memref<!tpu.dma_semaphore, #tpu.memory_space<semaphore_mem>>)
      } else {
      }
      %mul3A_33 = arith.constant 1280 : i32
      %mul3A_34 = arith.muli %mul3A_28, %mul3A_33 : i32
      %add3A_35 = arith.addi %multiple_of3A, %mul3A_34 : i32
      %multiple_of3A_36 = tpu.assume_multiple %add3A_35, 8 : i32
      %dma_wait3A_37 = arith.constant 0 : i32
      %dma_wait3A_38 = tpu.memref_slice %arg4[%multiple_of3A_36, %dma_wait3A_37] : memref<819200x128xf32, #tpu.memory_space<hbm>> -> memref<1280x32xf32, #tpu.memory_space<hbm>>
      %dma_wait3A_39 = arith.constant 0 : i32
      %dma_wait3A_40 = tpu.memref_slice %arg4[%multiple_of3A_36, %dma_wait3A_39] : memref<819200x128xf32, #tpu.memory_space<hbm>> -> memref<1280x32xf32, #tpu.memory_space<hbm>>
      tpu.wait_dma2 semaphore(%arg9 : memref<!tpu.dma_semaphore, #tpu.memory_space<semaphore_mem>>) src(%dma_wait3A_40 : memref<1280x32xf32, #tpu.memory_space<hbm>>) dst(%arg7 : memref<1280x32xf32, #tpu.memory_space<vmem>>)
      %broadcast_in_dim3A = arith.constant 1 : i32
      %broadcast_in_dim3A_41 = vector.broadcast %broadcast_in_dim3A : i32 to vector<16xi32>
      %scan3A_42 = arith.constant 0 : i32
      %scan3A_43 = arith.constant 80 : i32
      %scan3A_44 = arith.addi %scan3A_42, %scan3A_43 : i32
      %scan3A_45 = arith.constant 8 : i32
      %scan3A_46 = scf.for %scan3A_117 = %scan3A_42 to %scan3A_44 step %scan3A_45 iter_args(%scan3A_118 = %broadcast_in_dim3A_41) -> (vector<16xi32>)  : i32 {
        %mul3A_119 = arith.constant 16 : i32
        %mul3A_120 = arith.muli %scan3A_117, %mul3A_119 : i32
        %get3A = arith.index_cast %mul3A_120 : i32 to index
        %get3A_121 = tpu.vector_load %arg5[%get3A] {strides = array<i32>} : memref<1280xi32, #tpu.memory_space<vmem>>, vector<16xi32>,
        %min3A = arith.minsi %scan3A_118, %get3A_121 : vector<16xi32>
        %scan3A_122 = arith.constant 1 : i32
        %scan3A_123 = arith.addi %scan3A_117, %scan3A_122 : i32
        %mul3A_124 = arith.constant 16 : i32
        %mul3A_125 = arith.muli %scan3A_123, %mul3A_124 : i32
        %get3A_126 = arith.index_cast %mul3A_125 : i32 to index
        %get3A_127 = tpu.vector_load %arg5[%get3A_126] {strides = array<i32>} : memref<1280xi32, #tpu.memory_space<vmem>>, vector<16xi32>,
        %min3A_128 = arith.minsi %min3A, %get3A_127 : vector<16xi32>
        %scan3A_129 = arith.constant 2 : i32
        %scan3A_130 = arith.addi %scan3A_117, %scan3A_129 : i32
        %mul3A_131 = arith.constant 16 : i32
        %mul3A_132 = arith.muli %scan3A_130, %mul3A_131 : i32
        %get3A_133 = arith.index_cast %mul3A_132 : i32 to index
        %get3A_134 = tpu.vector_load %arg5[%get3A_133] {strides = array<i32>} : memref<1280xi32, #tpu.memory_space<vmem>>, vector<16xi32>,
        %min3A_135 = arith.minsi %min3A_128, %get3A_134 : vector<16xi32>
        %scan3A_136 = arith.constant 3 : i32
        %scan3A_137 = arith.addi %scan3A_117, %scan3A_136 : i32
        %mul3A_138 = arith.constant 16 : i32
        %mul3A_139 = arith.muli %scan3A_137, %mul3A_138 : i32
        %get3A_140 = arith.index_cast %mul3A_139 : i32 to index
        %get3A_141 = tpu.vector_load %arg5[%get3A_140] {strides = array<i32>} : memref<1280xi32, #tpu.memory_space<vmem>>, vector<16xi32>,
        %min3A_142 = arith.minsi %min3A_135, %get3A_141 : vector<16xi32>
        %scan3A_143 = arith.constant 4 : i32
        %scan3A_144 = arith.addi %scan3A_117, %scan3A_143 : i32
        %mul3A_145 = arith.constant 16 : i32
        %mul3A_146 = arith.muli %scan3A_144, %mul3A_145 : i32
        %get3A_147 = arith.index_cast %mul3A_146 : i32 to index
        %get3A_148 = tpu.vector_load %arg5[%get3A_147] {strides = array<i32>} : memref<1280xi32, #tpu.memory_space<vmem>>, vector<16xi32>,
        %min3A_149 = arith.minsi %min3A_142, %get3A_148 : vector<16xi32>
        %scan3A_150 = arith.constant 5 : i32
        %scan3A_151 = arith.addi %scan3A_117, %scan3A_150 : i32
        %mul3A_152 = arith.constant 16 : i32
        %mul3A_153 = arith.muli %scan3A_151, %mul3A_152 : i32
        %get3A_154 = arith.index_cast %mul3A_153 : i32 to index
        %get3A_155 = tpu.vector_load %arg5[%get3A_154] {strides = array<i32>} : memref<1280xi32, #tpu.memory_space<vmem>>, vector<16xi32>,
        %min3A_156 = arith.minsi %min3A_149, %get3A_155 : vector<16xi32>
        %scan3A_157 = arith.constant 6 : i32
        %scan3A_158 = arith.addi %scan3A_117, %scan3A_157 : i32
        %mul3A_159 = arith.constant 16 : i32
        %mul3A_160 = arith.muli %scan3A_158, %mul3A_159 : i32
        %get3A_161 = arith.index_cast %mul3A_160 : i32 to index
        %get3A_162 = tpu.vector_load %arg5[%get3A_161] {strides = array<i32>} : memref<1280xi32, #tpu.memory_space<vmem>>, vector<16xi32>,
        %min3A_163 = arith.minsi %min3A_156, %get3A_162 : vector<16xi32>
        %scan3A_164 = arith.constant 7 : i32
        %scan3A_165 = arith.addi %scan3A_117, %scan3A_164 : i32
        %mul3A_166 = arith.constant 16 : i32
        %mul3A_167 = arith.muli %scan3A_165, %mul3A_166 : i32
        %get3A_168 = arith.index_cast %mul3A_167 : i32 to index
        %get3A_169 = tpu.vector_load %arg5[%get3A_168] {strides = array<i32>} : memref<1280xi32, #tpu.memory_space<vmem>>, vector<16xi32>,
        %min3A_170 = arith.minsi %min3A_163, %get3A_169 : vector<16xi32>
        scf.yield %min3A_170 : vector<16xi32>
      }
      %scan3A_47 = arith.constant 80 : i32
      %reduce_min3A = arith.constant true
      %reduce_min3A_48 = vector.broadcast %reduce_min3A : i1 to vector<16xi1>
      %reduce_min3A_49 = arith.constant -2147483648 : i32
      %reduce_min3A_50 = vector.broadcast %reduce_min3A_49 : i32 to vector<16xi32>
      %reduce_min3A_51 = arith.xori %scan3A_46, %reduce_min3A_50 : vector<16xi32>
      %reduce_min3A_52 = tpu.scan <min>, %reduce_min3A_51 masked %reduce_min3A_48 : vector<16xi32>, vector<16xi1> -> vector<16xi32>
      %reduce_min3A_53 = arith.xori %reduce_min3A_52, %reduce_min3A_50 : vector<16xi32>
      %reduce_min3A_54 = vector.extract %reduce_min3A_53[15] : i32 from vector<16xi32>
      %eq3A = arith.constant 0 : i32
      %eq3A_55 = arith.cmpi eq, %reduce_min3A_54, %eq3A : i32
      %convert_element_type3A_56 = arith.extui %eq3A_55 : i1 to i32
      %cond3A_57 = arith.constant 0 : i32
      %cond3A_58 = arith.cmpi ne, %convert_element_type3A_56, %cond3A_57 : i32
      scf.if %cond3A_58 {
        %scan3A_117 = arith.constant 0 : i32
        %scan3A_118 = arith.constant 0 : i32
        %scan3A_119 = arith.constant 80 : i32
        %scan3A_120 = arith.addi %scan3A_118, %scan3A_119 : i32
        %scan3A_121 = arith.constant 1 : i32
        scf.for %scan3A_123 = %scan3A_118 to %scan3A_120 step %scan3A_121  : i32 {
          %mul3A_124 = arith.constant 16 : i32
          %mul3A_125 = arith.muli %scan3A_123, %mul3A_124 : i32
          %get3A = arith.index_cast %mul3A_125 : i32 to index
          %get3A_126 = tpu.vector_load %arg5[%get3A] {strides = array<i32>} : memref<1280xi32, #tpu.memory_space<vmem>>, vector<16xi32>,
          %eq3A_127 = arith.constant 0 : i32
          %eq3A_128 = vector.broadcast %eq3A_127 : i32 to vector<16xi32>
          %eq3A_129 = arith.cmpi eq, %get3A_126, %eq3A_128 : vector<16xi32>
          %jit3A = arith.constant 0.000000e+00 : f32
          %jit3A_130 = arith.constant 1.000000e+00 : f32
          %broadcast_in_dim3A_131 = vector.broadcast %jit3A : f32 to vector<16xf32>
          %broadcast_in_dim3A_132 = vector.broadcast %jit3A_130 : f32 to vector<16xf32>
          %select_n3A = arith.select %eq3A_129, %broadcast_in_dim3A_131, %broadcast_in_dim3A_132 : vector<16xi1>, vector<16xf32>
          %broadcast_in_dim3A_133 = arith.constant 0 : i32
          %broadcast_in_dim3A_134 = vector.broadcast %broadcast_in_dim3A_133 : i32 to vector<16x1xi32>
          %gather3A = vector.shape_cast %broadcast_in_dim3A_134 : vector<16x1xi32> to vector<16xi32>
          %gather3A_135 = tpu.dynamic_gather %select_n3A[%gather3A] in [0] : vector<16xf32>, vector<16xi32> -> vector<16xf32>
          %mul3A_136 = arith.constant 16 : i32
          %mul3A_137 = arith.muli %scan3A_123, %mul3A_136 : i32
          %add3A_138 = arith.constant 0 : i32
          %add3A_139 = arith.addi %mul3A_137, %add3A_138 : i32
          %get3A_140 = arith.index_cast %add3A_139 : i32 to index
          %get3A_141 = arith.constant 0 : index
          %get3A_142 = tpu.vector_load %arg7[%get3A_140, %get3A_141] {strides = array<i32>} : memref<1280x32xf32, #tpu.memory_space<vmem>>, vector<16xf32>,
          %mul3A_143 = arith.mulf %get3A_142, %gather3A_135 : vector<16xf32>
          %swap3A = arith.index_cast %add3A_139 : i32 to index
          %swap3A_144 = arith.constant 0 : index
          %swap3A_145 = tpu.vector_load %arg7[%swap3A, %swap3A_144] {strides = array<i32>} : memref<1280x32xf32, #tpu.memory_space<vmem>>, vector<16xf32>,
          tpu.vector_store %arg7[%swap3A, %swap3A_144], %mul3A_143 {strides = array<i32>} : memref<1280x32xf32, #tpu.memory_space<vmem>>, vector<16xf32>,
          %get3A_146 = arith.index_cast %add3A_139 : i32 to index
          %get3A_147 = arith.constant 16 : index
          %get3A_148 = tpu.vector_load %arg7[%get3A_146, %get3A_147] {strides = array<i32>} : memref<1280x32xf32, #tpu.memory_space<vmem>>, vector<16xf32>,
          %mul3A_149 = arith.mulf %get3A_148, %gather3A_135 : vector<16xf32>
          %swap3A_150 = arith.index_cast %add3A_139 : i32 to index
          %swap3A_151 = arith.constant 16 : index
          %swap3A_152 = tpu.vector_load %arg7[%swap3A_150, %swap3A_151] {strides = array<i32>} : memref<1280x32xf32, #tpu.memory_space<vmem>>, vector<16xf32>,
          tpu.vector_store %arg7[%swap3A_150, %swap3A_151], %mul3A_149 {strides = array<i32>} : memref<1280x32xf32, #tpu.memory_space<vmem>>, vector<16xf32>,
          %broadcast_in_dim3A_153 = arith.constant 1 : i32
          %broadcast_in_dim3A_154 = vector.broadcast %broadcast_in_dim3A_153 : i32 to vector<16x1xi32>
          %gather3A_155 = vector.shape_cast %broadcast_in_dim3A_154 : vector<16x1xi32> to vector<16xi32>
          %gather3A_156 = tpu.dynamic_gather %select_n3A[%gather3A_155] in [0] : vector<16xf32>, vector<16xi32> -> vector<16xf32>
          %mul3A_157 = arith.constant 16 : i32
          %mul3A_158 = arith.muli %scan3A_123, %mul3A_157 : i32
          %add3A_159 = arith.constant 1 : i32
          %add3A_160 = arith.addi %mul3A_158, %add3A_159 : i32
          %get3A_161 = arith.index_cast %add3A_160 : i32 to index
          %get3A_162 = arith.constant 0 : index
          %get3A_163 = tpu.vector_load %arg7[%get3A_161, %get3A_162] {strides = array<i32>} : memref<1280x32xf32, #tpu.memory_space<vmem>>, vector<16xf32>,
          %mul3A_164 = arith.mulf %get3A_163, %gather3A_156 : vector<16xf32>
          %swap3A_165 = arith.index_cast %add3A_160 : i32 to index
          %swap3A_166 = arith.constant 0 : index
          %swap3A_167 = tpu.vector_load %arg7[%swap3A_165, %swap3A_166] {strides = array<i32>} : memref<1280x32xf32, #tpu.memory_space<vmem>>, vector<16xf32>,
          tpu.vector_store %arg7[%swap3A_165, %swap3A_166], %mul3A_164 {strides = array<i32>} : memref<1280x32xf32, #tpu.memory_space<vmem>>, vector<16xf32>,
          %get3A_168 = arith.index_cast %add3A_160 : i32 to index
          %get3A_169 = arith.constant 16 : index
          %get3A_170 = tpu.vector_load %arg7[%get3A_168, %get3A_169] {strides = array<i32>} : memref<1280x32xf32, #tpu.memory_space<vmem>>, vector<16xf32>,
          %mul3A_171 = arith.mulf %get3A_170, %gather3A_156 : vector<16xf32>
          %swap3A_172 = arith.index_cast %add3A_160 : i32 to index
          %swap3A_173 = arith.constant 16 : index
          %swap3A_174 = tpu.vector_load %arg7[%swap3A_172, %swap3A_173] {strides = array<i32>} : memref<1280x32xf32, #tpu.memory_space<vmem>>, vector<16xf32>,
          tpu.vector_store %arg7[%swap3A_172, %swap3A_173], %mul3A_171 {strides = array<i32>} : memref<1280x32xf32, #tpu.memory_space<vmem>>, vector<16xf32>,
          %broadcast_in_dim3A_175 = arith.constant 2 : i32
          %broadcast_in_dim3A_176 = vector.broadcast %broadcast_in_dim3A_175 : i32 to vector<16x1xi32>
          %gather3A_177 = vector.shape_cast %broadcast_in_dim3A_176 : vector<16x1xi32> to vector<16xi32>
          %gather3A_178 = tpu.dynamic_gather %select_n3A[%gather3A_177] in [0] : vector<16xf32>, vector<16xi32> -> vector<16xf32>
          %mul3A_179 = arith.constant 16 : i32
          %mul3A_180 = arith.muli %scan3A_123, %mul3A_179 : i32
          %add3A_181 = arith.constant 2 : i32
          %add3A_182 = arith.addi %mul3A_180, %add3A_181 : i32
          %get3A_183 = arith.index_cast %add3A_182 : i32 to index
          %get3A_184 = arith.constant 0 : index
          %get3A_185 = tpu.vector_load %arg7[%get3A_183, %get3A_184] {strides = array<i32>} : memref<1280x32xf32, #tpu.memory_space<vmem>>, vector<16xf32>,
          %mul3A_186 = arith.mulf %get3A_185, %gather3A_178 : vector<16xf32>
          %swap3A_187 = arith.index_cast %add3A_182 : i32 to index
          %swap3A_188 = arith.constant 0 : index
          %swap3A_189 = tpu.vector_load %arg7[%swap3A_187, %swap3A_188] {strides = array<i32>} : memref<1280x32xf32, #tpu.memory_space<vmem>>, vector<16xf32>,
          tpu.vector_store %arg7[%swap3A_187, %swap3A_188], %mul3A_186 {strides = array<i32>} : memref<1280x32xf32, #tpu.memory_space<vmem>>, vector<16xf32>,
          %get3A_190 = arith.index_cast %add3A_182 : i32 to index
          %get3A_191 = arith.constant 16 : index
          %get3A_192 = tpu.vector_load %arg7[%get3A_190, %get3A_191] {strides = array<i32>} : memref<1280x32xf32, #tpu.memory_space<vmem>>, vector<16xf32>,
          %mul3A_193 = arith.mulf %get3A_192, %gather3A_178 : vector<16xf32>
          %swap3A_194 = arith.index_cast %add3A_182 : i32 to index
          %swap3A_195 = arith.constant 16 : index
          %swap3A_196 = tpu.vector_load %arg7[%swap3A_194, %swap3A_195] {strides = array<i32>} : memref<1280x32xf32, #tpu.memory_space<vmem>>, vector<16xf32>,
          tpu.vector_store %arg7[%swap3A_194, %swap3A_195], %mul3A_193 {strides = array<i32>} : memref<1280x32xf32, #tpu.memory_space<vmem>>, vector<16xf32>,
          %broadcast_in_dim3A_197 = arith.constant 3 : i32
          %broadcast_in_dim3A_198 = vector.broadcast %broadcast_in_dim3A_197 : i32 to vector<16x1xi32>
          %gather3A_199 = vector.shape_cast %broadcast_in_dim3A_198 : vector<16x1xi32> to vector<16xi32>
          %gather3A_200 = tpu.dynamic_gather %select_n3A[%gather3A_199] in [0] : vector<16xf32>, vector<16xi32> -> vector<16xf32>
          %mul3A_201 = arith.constant 16 : i32
          %mul3A_202 = arith.muli %scan3A_123, %mul3A_201 : i32
          %add3A_203 = arith.constant 3 : i32
          %add3A_204 = arith.addi %mul3A_202, %add3A_203 : i32
          %get3A_205 = arith.index_cast %add3A_204 : i32 to index
          %get3A_206 = arith.constant 0 : index
          %get3A_207 = tpu.vector_load %arg7[%get3A_205, %get3A_206] {strides = array<i32>} : memref<1280x32xf32, #tpu.memory_space<vmem>>, vector<16xf32>,
          %mul3A_208 = arith.mulf %get3A_207, %gather3A_200 : vector<16xf32>
          %swap3A_209 = arith.index_cast %add3A_204 : i32 to index
          %swap3A_210 = arith.constant 0 : index
          %swap3A_211 = tpu.vector_load %arg7[%swap3A_209, %swap3A_210] {strides = array<i32>} : memref<1280x32xf32, #tpu.memory_space<vmem>>, vector<16xf32>,
          tpu.vector_store %arg7[%swap3A_209, %swap3A_210], %mul3A_208 {strides = array<i32>} : memref<1280x32xf32, #tpu.memory_space<vmem>>, vector<16xf32>,
          %get3A_212 = arith.index_cast %add3A_204 : i32 to index
          %get3A_213 = arith.constant 16 : index
          %get3A_214 = tpu.vector_load %arg7[%get3A_212, %get3A_213] {strides = array<i32>} : memref<1280x32xf32, #tpu.memory_space<vmem>>, vector<16xf32>,
          %mul3A_215 = arith.mulf %get3A_214, %gather3A_200 : vector<16xf32>
          %swap3A_216 = arith.index_cast %add3A_204 : i32 to index
          %swap3A_217 = arith.constant 16 : index
          %swap3A_218 = tpu.vector_load %arg7[%swap3A_216, %swap3A_217] {strides = array<i32>} : memref<1280x32xf32, #tpu.memory_space<vmem>>, vector<16xf32>,
          tpu.vector_store %arg7[%swap3A_216, %swap3A_217], %mul3A_215 {strides = array<i32>} : memref<1280x32xf32, #tpu.memory_space<vmem>>, vector<16xf32>,
          %broadcast_in_dim3A_219 = arith.constant 4 : i32
          %broadcast_in_dim3A_220 = vector.broadcast %broadcast_in_dim3A_219 : i32 to vector<16x1xi32>
          %gather3A_221 = vector.shape_cast %broadcast_in_dim3A_220 : vector<16x1xi32> to vector<16xi32>
          %gather3A_222 = tpu.dynamic_gather %select_n3A[%gather3A_221] in [0] : vector<16xf32>, vector<16xi32> -> vector<16xf32>
          %mul3A_223 = arith.constant 16 : i32
          %mul3A_224 = arith.muli %scan3A_123, %mul3A_223 : i32
          %add3A_225 = arith.constant 4 : i32
          %add3A_226 = arith.addi %mul3A_224, %add3A_225 : i32
          %get3A_227 = arith.index_cast %add3A_226 : i32 to index
          %get3A_228 = arith.constant 0 : index
          %get3A_229 = tpu.vector_load %arg7[%get3A_227, %get3A_228] {strides = array<i32>} : memref<1280x32xf32, #tpu.memory_space<vmem>>, vector<16xf32>,
          %mul3A_230 = arith.mulf %get3A_229, %gather3A_222 : vector<16xf32>
          %swap3A_231 = arith.index_cast %add3A_226 : i32 to index
          %swap3A_232 = arith.constant 0 : index
          %swap3A_233 = tpu.vector_load %arg7[%swap3A_231, %swap3A_232] {strides = array<i32>} : memref<1280x32xf32, #tpu.memory_space<vmem>>, vector<16xf32>,
          tpu.vector_store %arg7[%swap3A_231, %swap3A_232], %mul3A_230 {strides = array<i32>} : memref<1280x32xf32, #tpu.memory_space<vmem>>, vector<16xf32>,
          %get3A_234 = arith.index_cast %add3A_226 : i32 to index
          %get3A_235 = arith.constant 16 : index
          %get3A_236 = tpu.vector_load %arg7[%get3A_234, %get3A_235] {strides = array<i32>} : memref<1280x32xf32, #tpu.memory_space<vmem>>, vector<16xf32>,
          %mul3A_237 = arith.mulf %get3A_236, %gather3A_222 : vector<16xf32>
          %swap3A_238 = arith.index_cast %add3A_226 : i32 to index
          %swap3A_239 = arith.constant 16 : index
          %swap3A_240 = tpu.vector_load %arg7[%swap3A_238, %swap3A_239] {strides = array<i32>} : memref<1280x32xf32, #tpu.memory_space<vmem>>, vector<16xf32>,
          tpu.vector_store %arg7[%swap3A_238, %swap3A_239], %mul3A_237 {strides = array<i32>} : memref<1280x32xf32, #tpu.memory_space<vmem>>, vector<16xf32>,
          %broadcast_in_dim3A_241 = arith.constant 5 : i32
          %broadcast_in_dim3A_242 = vector.broadcast %broadcast_in_dim3A_241 : i32 to vector<16x1xi32>
          %gather3A_243 = vector.shape_cast %broadcast_in_dim3A_242 : vector<16x1xi32> to vector<16xi32>
          %gather3A_244 = tpu.dynamic_gather %select_n3A[%gather3A_243] in [0] : vector<16xf32>, vector<16xi32> -> vector<16xf32>
          %mul3A_245 = arith.constant 16 : i32
          %mul3A_246 = arith.muli %scan3A_123, %mul3A_245 : i32
          %add3A_247 = arith.constant 5 : i32
          %add3A_248 = arith.addi %mul3A_246, %add3A_247 : i32
          %get3A_249 = arith.index_cast %add3A_248 : i32 to index
          %get3A_250 = arith.constant 0 : index
          %get3A_251 = tpu.vector_load %arg7[%get3A_249, %get3A_250] {strides = array<i32>} : memref<1280x32xf32, #tpu.memory_space<vmem>>, vector<16xf32>,
          %mul3A_252 = arith.mulf %get3A_251, %gather3A_244 : vector<16xf32>
          %swap3A_253 = arith.index_cast %add3A_248 : i32 to index
          %swap3A_254 = arith.constant 0 : index
          %swap3A_255 = tpu.vector_load %arg7[%swap3A_253, %swap3A_254] {strides = array<i32>} : memref<1280x32xf32, #tpu.memory_space<vmem>>, vector<16xf32>,
          tpu.vector_store %arg7[%swap3A_253, %swap3A_254], %mul3A_252 {strides = array<i32>} : memref<1280x32xf32, #tpu.memory_space<vmem>>, vector<16xf32>,
          %get3A_256 = arith.index_cast %add3A_248 : i32 to index
          %get3A_257 = arith.constant 16 : index
          %get3A_258 = tpu.vector_load %arg7[%get3A_256, %get3A_257] {strides = array<i32>} : memref<1280x32xf32, #tpu.memory_space<vmem>>, vector<16xf32>,
          %mul3A_259 = arith.mulf %get3A_258, %gather3A_244 : vector<16xf32>
          %swap3A_260 = arith.index_cast %add3A_248 : i32 to index
          %swap3A_261 = arith.constant 16 : index
          %swap3A_262 = tpu.vector_load %arg7[%swap3A_260, %swap3A_261] {strides = array<i32>} : memref<1280x32xf32, #tpu.memory_space<vmem>>, vector<16xf32>,
          tpu.vector_store %arg7[%swap3A_260, %swap3A_261], %mul3A_259 {strides = array<i32>} : memref<1280x32xf32, #tpu.memory_space<vmem>>, vector<16xf32>,
          %broadcast_in_dim3A_263 = arith.constant 6 : i32
          %broadcast_in_dim3A_264 = vector.broadcast %broadcast_in_dim3A_263 : i32 to vector<16x1xi32>
          %gather3A_265 = vector.shape_cast %broadcast_in_dim3A_264 : vector<16x1xi32> to vector<16xi32>
          %gather3A_266 = tpu.dynamic_gather %select_n3A[%gather3A_265] in [0] : vector<16xf32>, vector<16xi32> -> vector<16xf32>
          %mul3A_267 = arith.constant 16 : i32
          %mul3A_268 = arith.muli %scan3A_123, %mul3A_267 : i32
          %add3A_269 = arith.constant 6 : i32
          %add3A_270 = arith.addi %mul3A_268, %add3A_269 : i32
          %get3A_271 = arith.index_cast %add3A_270 : i32 to index
          %get3A_272 = arith.constant 0 : index
          %get3A_273 = tpu.vector_load %arg7[%get3A_271, %get3A_272] {strides = array<i32>} : memref<1280x32xf32, #tpu.memory_space<vmem>>, vector<16xf32>,
          %mul3A_274 = arith.mulf %get3A_273, %gather3A_266 : vector<16xf32>
          %swap3A_275 = arith.index_cast %add3A_270 : i32 to index
          %swap3A_276 = arith.constant 0 : index
          %swap3A_277 = tpu.vector_load %arg7[%swap3A_275, %swap3A_276] {strides = array<i32>} : memref<1280x32xf32, #tpu.memory_space<vmem>>, vector<16xf32>,
          tpu.vector_store %arg7[%swap3A_275, %swap3A_276], %mul3A_274 {strides = array<i32>} : memref<1280x32xf32, #tpu.memory_space<vmem>>, vector<16xf32>,
          %get3A_278 = arith.index_cast %add3A_270 : i32 to index
          %get3A_279 = arith.constant 16 : index
          %get3A_280 = tpu.vector_load %arg7[%get3A_278, %get3A_279] {strides = array<i32>} : memref<1280x32xf32, #tpu.memory_space<vmem>>, vector<16xf32>,
          %mul3A_281 = arith.mulf %get3A_280, %gather3A_266 : vector<16xf32>
          %swap3A_282 = arith.index_cast %add3A_270 : i32 to index
          %swap3A_283 = arith.constant 16 : index
          %swap3A_284 = tpu.vector_load %arg7[%swap3A_282, %swap3A_283] {strides = array<i32>} : memref<1280x32xf32, #tpu.memory_space<vmem>>, vector<16xf32>,
          tpu.vector_store %arg7[%swap3A_282, %swap3A_283], %mul3A_281 {strides = array<i32>} : memref<1280x32xf32, #tpu.memory_space<vmem>>, vector<16xf32>,
          %broadcast_in_dim3A_285 = arith.constant 7 : i32
          %broadcast_in_dim3A_286 = vector.broadcast %broadcast_in_dim3A_285 : i32 to vector<16x1xi32>
          %gather3A_287 = vector.shape_cast %broadcast_in_dim3A_286 : vector<16x1xi32> to vector<16xi32>
          %gather3A_288 = tpu.dynamic_gather %select_n3A[%gather3A_287] in [0] : vector<16xf32>, vector<16xi32> -> vector<16xf32>
          %mul3A_289 = arith.constant 16 : i32
          %mul3A_290 = arith.muli %scan3A_123, %mul3A_289 : i32
          %add3A_291 = arith.constant 7 : i32
          %add3A_292 = arith.addi %mul3A_290, %add3A_291 : i32
          %get3A_293 = arith.index_cast %add3A_292 : i32 to index
          %get3A_294 = arith.constant 0 : index
          %get3A_295 = tpu.vector_load %arg7[%get3A_293, %get3A_294] {strides = array<i32>} : memref<1280x32xf32, #tpu.memory_space<vmem>>, vector<16xf32>,
          %mul3A_296 = arith.mulf %get3A_295, %gather3A_288 : vector<16xf32>
          %swap3A_297 = arith.index_cast %add3A_292 : i32 to index
          %swap3A_298 = arith.constant 0 : index
          %swap3A_299 = tpu.vector_load %arg7[%swap3A_297, %swap3A_298] {strides = array<i32>} : memref<1280x32xf32, #tpu.memory_space<vmem>>, vector<16xf32>,
          tpu.vector_store %arg7[%swap3A_297, %swap3A_298], %mul3A_296 {strides = array<i32>} : memref<1280x32xf32, #tpu.memory_space<vmem>>, vector<16xf32>,
          %get3A_300 = arith.index_cast %add3A_292 : i32 to index
          %get3A_301 = arith.constant 16 : index
          %get3A_302 = tpu.vector_load %arg7[%get3A_300, %get3A_301] {strides = array<i32>} : memref<1280x32xf32, #tpu.memory_space<vmem>>, vector<16xf32>,
          %mul3A_303 = arith.mulf %get3A_302, %gather3A_288 : vector<16xf32>
          %swap3A_304 = arith.index_cast %add3A_292 : i32 to index
          %swap3A_305 = arith.constant 16 : index
          %swap3A_306 = tpu.vector_load %arg7[%swap3A_304, %swap3A_305] {strides = array<i32>} : memref<1280x32xf32, #tpu.memory_space<vmem>>, vector<16xf32>,
          tpu.vector_store %arg7[%swap3A_304, %swap3A_305], %mul3A_303 {strides = array<i32>} : memref<1280x32xf32, #tpu.memory_space<vmem>>, vector<16xf32>,
          %broadcast_in_dim3A_307 = arith.constant 8 : i32
          %broadcast_in_dim3A_308 = vector.broadcast %broadcast_in_dim3A_307 : i32 to vector<16x1xi32>
          %gather3A_309 = vector.shape_cast %broadcast_in_dim3A_308 : vector<16x1xi32> to vector<16xi32>
          %gather3A_310 = tpu.dynamic_gather %select_n3A[%gather3A_309] in [0] : vector<16xf32>, vector<16xi32> -> vector<16xf32>
          %mul3A_311 = arith.constant 16 : i32
          %mul3A_312 = arith.muli %scan3A_123, %mul3A_311 : i32
          %add3A_313 = arith.constant 8 : i32
          %add3A_314 = arith.addi %mul3A_312, %add3A_313 : i32
          %get3A_315 = arith.index_cast %add3A_314 : i32 to index
          %get3A_316 = arith.constant 0 : index
          %get3A_317 = tpu.vector_load %arg7[%get3A_315, %get3A_316] {strides = array<i32>} : memref<1280x32xf32, #tpu.memory_space<vmem>>, vector<16xf32>,
          %mul3A_318 = arith.mulf %get3A_317, %gather3A_310 : vector<16xf32>
          %swap3A_319 = arith.index_cast %add3A_314 : i32 to index
          %swap3A_320 = arith.constant 0 : index
          %swap3A_321 = tpu.vector_load %arg7[%swap3A_319, %swap3A_320] {strides = array<i32>} : memref<1280x32xf32, #tpu.memory_space<vmem>>, vector<16xf32>,
          tpu.vector_store %arg7[%swap3A_319, %swap3A_320], %mul3A_318 {strides = array<i32>} : memref<1280x32xf32, #tpu.memory_space<vmem>>, vector<16xf32>,
          %get3A_322 = arith.index_cast %add3A_314 : i32 to index
          %get3A_323 = arith.constant 16 : index
          %get3A_324 = tpu.vector_load %arg7[%get3A_322, %get3A_323] {strides = array<i32>} : memref<1280x32xf32, #tpu.memory_space<vmem>>, vector<16xf32>,
          %mul3A_325 = arith.mulf %get3A_324, %gather3A_310 : vector<16xf32>
          %swap3A_326 = arith.index_cast %add3A_314 : i32 to index
          %swap3A_327 = arith.constant 16 : index
          %swap3A_328 = tpu.vector_load %arg7[%swap3A_326, %swap3A_327] {strides = array<i32>} : memref<1280x32xf32, #tpu.memory_space<vmem>>, vector<16xf32>,
          tpu.vector_store %arg7[%swap3A_326, %swap3A_327], %mul3A_325 {strides = array<i32>} : memref<1280x32xf32, #tpu.memory_space<vmem>>, vector<16xf32>,
          %broadcast_in_dim3A_329 = arith.constant 9 : i32
          %broadcast_in_dim3A_330 = vector.broadcast %broadcast_in_dim3A_329 : i32 to vector<16x1xi32>
          %gather3A_331 = vector.shape_cast %broadcast_in_dim3A_330 : vector<16x1xi32> to vector<16xi32>
          %gather3A_332 = tpu.dynamic_gather %select_n3A[%gather3A_331] in [0] : vector<16xf32>, vector<16xi32> -> vector<16xf32>
          %mul3A_333 = arith.constant 16 : i32
          %mul3A_334 = arith.muli %scan3A_123, %mul3A_333 : i32
          %add3A_335 = arith.constant 9 : i32
          %add3A_336 = arith.addi %mul3A_334, %add3A_335 : i32
          %get3A_337 = arith.index_cast %add3A_336 : i32 to index
          %get3A_338 = arith.constant 0 : index
          %get3A_339 = tpu.vector_load %arg7[%get3A_337, %get3A_338] {strides = array<i32>} : memref<1280x32xf32, #tpu.memory_space<vmem>>, vector<16xf32>,
          %mul3A_340 = arith.mulf %get3A_339, %gather3A_332 : vector<16xf32>
          %swap3A_341 = arith.index_cast %add3A_336 : i32 to index
          %swap3A_342 = arith.constant 0 : index
          %swap3A_343 = tpu.vector_load %arg7[%swap3A_341, %swap3A_342] {strides = array<i32>} : memref<1280x32xf32, #tpu.memory_space<vmem>>, vector<16xf32>,
          tpu.vector_store %arg7[%swap3A_341, %swap3A_342], %mul3A_340 {strides = array<i32>} : memref<1280x32xf32, #tpu.memory_space<vmem>>, vector<16xf32>,
          %get3A_344 = arith.index_cast %add3A_336 : i32 to index
          %get3A_345 = arith.constant 16 : index
          %get3A_346 = tpu.vector_load %arg7[%get3A_344, %get3A_345] {strides = array<i32>} : memref<1280x32xf32, #tpu.memory_space<vmem>>, vector<16xf32>,
          %mul3A_347 = arith.mulf %get3A_346, %gather3A_332 : vector<16xf32>
          %swap3A_348 = arith.index_cast %add3A_336 : i32 to index
          %swap3A_349 = arith.constant 16 : index
          %swap3A_350 = tpu.vector_load %arg7[%swap3A_348, %swap3A_349] {strides = array<i32>} : memref<1280x32xf32, #tpu.memory_space<vmem>>, vector<16xf32>,
          tpu.vector_store %arg7[%swap3A_348, %swap3A_349], %mul3A_347 {strides = array<i32>} : memref<1280x32xf32, #tpu.memory_space<vmem>>, vector<16xf32>,
          %broadcast_in_dim3A_351 = arith.constant 10 : i32
          %broadcast_in_dim3A_352 = vector.broadcast %broadcast_in_dim3A_351 : i32 to vector<16x1xi32>
          %gather3A_353 = vector.shape_cast %broadcast_in_dim3A_352 : vector<16x1xi32> to vector<16xi32>
          %gather3A_354 = tpu.dynamic_gather %select_n3A[%gather3A_353] in [0] : vector<16xf32>, vector<16xi32> -> vector<16xf32>
          %mul3A_355 = arith.constant 16 : i32
          %mul3A_356 = arith.muli %scan3A_123, %mul3A_355 : i32
          %add3A_357 = arith.constant 10 : i32
          %add3A_358 = arith.addi %mul3A_356, %add3A_357 : i32
          %get3A_359 = arith.index_cast %add3A_358 : i32 to index
          %get3A_360 = arith.constant 0 : index
          %get3A_361 = tpu.vector_load %arg7[%get3A_359, %get3A_360] {strides = array<i32>} : memref<1280x32xf32, #tpu.memory_space<vmem>>, vector<16xf32>,
          %mul3A_362 = arith.mulf %get3A_361, %gather3A_354 : vector<16xf32>
          %swap3A_363 = arith.index_cast %add3A_358 : i32 to index
          %swap3A_364 = arith.constant 0 : index
          %swap3A_365 = tpu.vector_load %arg7[%swap3A_363, %swap3A_364] {strides = array<i32>} : memref<1280x32xf32, #tpu.memory_space<vmem>>, vector<16xf32>,
          tpu.vector_store %arg7[%swap3A_363, %swap3A_364], %mul3A_362 {strides = array<i32>} : memref<1280x32xf32, #tpu.memory_space<vmem>>, vector<16xf32>,
          %get3A_366 = arith.index_cast %add3A_358 : i32 to index
          %get3A_367 = arith.constant 16 : index
          %get3A_368 = tpu.vector_load %arg7[%get3A_366, %get3A_367] {strides = array<i32>} : memref<1280x32xf32, #tpu.memory_space<vmem>>, vector<16xf32>,
          %mul3A_369 = arith.mulf %get3A_368, %gather3A_354 : vector<16xf32>
          %swap3A_370 = arith.index_cast %add3A_358 : i32 to index
          %swap3A_371 = arith.constant 16 : index
          %swap3A_372 = tpu.vector_load %arg7[%swap3A_370, %swap3A_371] {strides = array<i32>} : memref<1280x32xf32, #tpu.memory_space<vmem>>, vector<16xf32>,
          tpu.vector_store %arg7[%swap3A_370, %swap3A_371], %mul3A_369 {strides = array<i32>} : memref<1280x32xf32, #tpu.memory_space<vmem>>, vector<16xf32>,
          %broadcast_in_dim3A_373 = arith.constant 11 : i32
          %broadcast_in_dim3A_374 = vector.broadcast %broadcast_in_dim3A_373 : i32 to vector<16x1xi32>
          %gather3A_375 = vector.shape_cast %broadcast_in_dim3A_374 : vector<16x1xi32> to vector<16xi32>
          %gather3A_376 = tpu.dynamic_gather %select_n3A[%gather3A_375] in [0] : vector<16xf32>, vector<16xi32> -> vector<16xf32>
          %mul3A_377 = arith.constant 16 : i32
          %mul3A_378 = arith.muli %scan3A_123, %mul3A_377 : i32
          %add3A_379 = arith.constant 11 : i32
          %add3A_380 = arith.addi %mul3A_378, %add3A_379 : i32
          %get3A_381 = arith.index_cast %add3A_380 : i32 to index
          %get3A_382 = arith.constant 0 : index
          %get3A_383 = tpu.vector_load %arg7[%get3A_381, %get3A_382] {strides = array<i32>} : memref<1280x32xf32, #tpu.memory_space<vmem>>, vector<16xf32>,
          %mul3A_384 = arith.mulf %get3A_383, %gather3A_376 : vector<16xf32>
          %swap3A_385 = arith.index_cast %add3A_380 : i32 to index
          %swap3A_386 = arith.constant 0 : index
          %swap3A_387 = tpu.vector_load %arg7[%swap3A_385, %swap3A_386] {strides = array<i32>} : memref<1280x32xf32, #tpu.memory_space<vmem>>, vector<16xf32>,
          tpu.vector_store %arg7[%swap3A_385, %swap3A_386], %mul3A_384 {strides = array<i32>} : memref<1280x32xf32, #tpu.memory_space<vmem>>, vector<16xf32>,
          %get3A_388 = arith.index_cast %add3A_380 : i32 to index
          %get3A_389 = arith.constant 16 : index
          %get3A_390 = tpu.vector_load %arg7[%get3A_388, %get3A_389] {strides = array<i32>} : memref<1280x32xf32, #tpu.memory_space<vmem>>, vector<16xf32>,
          %mul3A_391 = arith.mulf %get3A_390, %gather3A_376 : vector<16xf32>
          %swap3A_392 = arith.index_cast %add3A_380 : i32 to index
          %swap3A_393 = arith.constant 16 : index
          %swap3A_394 = tpu.vector_load %arg7[%swap3A_392, %swap3A_393] {strides = array<i32>} : memref<1280x32xf32, #tpu.memory_space<vmem>>, vector<16xf32>,
          tpu.vector_store %arg7[%swap3A_392, %swap3A_393], %mul3A_391 {strides = array<i32>} : memref<1280x32xf32, #tpu.memory_space<vmem>>, vector<16xf32>,
          %broadcast_in_dim3A_395 = arith.constant 12 : i32
          %broadcast_in_dim3A_396 = vector.broadcast %broadcast_in_dim3A_395 : i32 to vector<16x1xi32>
          %gather3A_397 = vector.shape_cast %broadcast_in_dim3A_396 : vector<16x1xi32> to vector<16xi32>
          %gather3A_398 = tpu.dynamic_gather %select_n3A[%gather3A_397] in [0] : vector<16xf32>, vector<16xi32> -> vector<16xf32>
          %mul3A_399 = arith.constant 16 : i32
          %mul3A_400 = arith.muli %scan3A_123, %mul3A_399 : i32
          %add3A_401 = arith.constant 12 : i32
          %add3A_402 = arith.addi %mul3A_400, %add3A_401 : i32
          %get3A_403 = arith.index_cast %add3A_402 : i32 to index
          %get3A_404 = arith.constant 0 : index
          %get3A_405 = tpu.vector_load %arg7[%get3A_403, %get3A_404] {strides = array<i32>} : memref<1280x32xf32, #tpu.memory_space<vmem>>, vector<16xf32>,
          %mul3A_406 = arith.mulf %get3A_405, %gather3A_398 : vector<16xf32>
          %swap3A_407 = arith.index_cast %add3A_402 : i32 to index
          %swap3A_408 = arith.constant 0 : index
          %swap3A_409 = tpu.vector_load %arg7[%swap3A_407, %swap3A_408] {strides = array<i32>} : memref<1280x32xf32, #tpu.memory_space<vmem>>, vector<16xf32>,
          tpu.vector_store %arg7[%swap3A_407, %swap3A_408], %mul3A_406 {strides = array<i32>} : memref<1280x32xf32, #tpu.memory_space<vmem>>, vector<16xf32>,
          %get3A_410 = arith.index_cast %add3A_402 : i32 to index
          %get3A_411 = arith.constant 16 : index
          %get3A_412 = tpu.vector_load %arg7[%get3A_410, %get3A_411] {strides = array<i32>} : memref<1280x32xf32, #tpu.memory_space<vmem>>, vector<16xf32>,
          %mul3A_413 = arith.mulf %get3A_412, %gather3A_398 : vector<16xf32>
          %swap3A_414 = arith.index_cast %add3A_402 : i32 to index
          %swap3A_415 = arith.constant 16 : index
          %swap3A_416 = tpu.vector_load %arg7[%swap3A_414, %swap3A_415] {strides = array<i32>} : memref<1280x32xf32, #tpu.memory_space<vmem>>, vector<16xf32>,
          tpu.vector_store %arg7[%swap3A_414, %swap3A_415], %mul3A_413 {strides = array<i32>} : memref<1280x32xf32, #tpu.memory_space<vmem>>, vector<16xf32>,
          %broadcast_in_dim3A_417 = arith.constant 13 : i32
          %broadcast_in_dim3A_418 = vector.broadcast %broadcast_in_dim3A_417 : i32 to vector<16x1xi32>
          %gather3A_419 = vector.shape_cast %broadcast_in_dim3A_418 : vector<16x1xi32> to vector<16xi32>
          %gather3A_420 = tpu.dynamic_gather %select_n3A[%gather3A_419] in [0] : vector<16xf32>, vector<16xi32> -> vector<16xf32>
          %mul3A_421 = arith.constant 16 : i32
          %mul3A_422 = arith.muli %scan3A_123, %mul3A_421 : i32
          %add3A_423 = arith.constant 13 : i32
          %add3A_424 = arith.addi %mul3A_422, %add3A_423 : i32
          %get3A_425 = arith.index_cast %add3A_424 : i32 to index
          %get3A_426 = arith.constant 0 : index
          %get3A_427 = tpu.vector_load %arg7[%get3A_425, %get3A_426] {strides = array<i32>} : memref<1280x32xf32, #tpu.memory_space<vmem>>, vector<16xf32>,
          %mul3A_428 = arith.mulf %get3A_427, %gather3A_420 : vector<16xf32>
          %swap3A_429 = arith.index_cast %add3A_424 : i32 to index
          %swap3A_430 = arith.constant 0 : index
          %swap3A_431 = tpu.vector_load %arg7[%swap3A_429, %swap3A_430] {strides = array<i32>} : memref<1280x32xf32, #tpu.memory_space<vmem>>, vector<16xf32>,
          tpu.vector_store %arg7[%swap3A_429, %swap3A_430], %mul3A_428 {strides = array<i32>} : memref<1280x32xf32, #tpu.memory_space<vmem>>, vector<16xf32>,
          %get3A_432 = arith.index_cast %add3A_424 : i32 to index
          %get3A_433 = arith.constant 16 : index
          %get3A_434 = tpu.vector_load %arg7[%get3A_432, %get3A_433] {strides = array<i32>} : memref<1280x32xf32, #tpu.memory_space<vmem>>, vector<16xf32>,
          %mul3A_435 = arith.mulf %get3A_434, %gather3A_420 : vector<16xf32>
          %swap3A_436 = arith.index_cast %add3A_424 : i32 to index
          %swap3A_437 = arith.constant 16 : index
          %swap3A_438 = tpu.vector_load %arg7[%swap3A_436, %swap3A_437] {strides = array<i32>} : memref<1280x32xf32, #tpu.memory_space<vmem>>, vector<16xf32>,
          tpu.vector_store %arg7[%swap3A_436, %swap3A_437], %mul3A_435 {strides = array<i32>} : memref<1280x32xf32, #tpu.memory_space<vmem>>, vector<16xf32>,
          %broadcast_in_dim3A_439 = arith.constant 14 : i32
          %broadcast_in_dim3A_440 = vector.broadcast %broadcast_in_dim3A_439 : i32 to vector<16x1xi32>
          %gather3A_441 = vector.shape_cast %broadcast_in_dim3A_440 : vector<16x1xi32> to vector<16xi32>
          %gather3A_442 = tpu.dynamic_gather %select_n3A[%gather3A_441] in [0] : vector<16xf32>, vector<16xi32> -> vector<16xf32>
          %mul3A_443 = arith.constant 16 : i32
          %mul3A_444 = arith.muli %scan3A_123, %mul3A_443 : i32
          %add3A_445 = arith.constant 14 : i32
          %add3A_446 = arith.addi %mul3A_444, %add3A_445 : i32
          %get3A_447 = arith.index_cast %add3A_446 : i32 to index
          %get3A_448 = arith.constant 0 : index
          %get3A_449 = tpu.vector_load %arg7[%get3A_447, %get3A_448] {strides = array<i32>} : memref<1280x32xf32, #tpu.memory_space<vmem>>, vector<16xf32>,
          %mul3A_450 = arith.mulf %get3A_449, %gather3A_442 : vector<16xf32>
          %swap3A_451 = arith.index_cast %add3A_446 : i32 to index
          %swap3A_452 = arith.constant 0 : index
          %swap3A_453 = tpu.vector_load %arg7[%swap3A_451, %swap3A_452] {strides = array<i32>} : memref<1280x32xf32, #tpu.memory_space<vmem>>, vector<16xf32>,
          tpu.vector_store %arg7[%swap3A_451, %swap3A_452], %mul3A_450 {strides = array<i32>} : memref<1280x32xf32, #tpu.memory_space<vmem>>, vector<16xf32>,
          %get3A_454 = arith.index_cast %add3A_446 : i32 to index
          %get3A_455 = arith.constant 16 : index
          %get3A_456 = tpu.vector_load %arg7[%get3A_454, %get3A_455] {strides = array<i32>} : memref<1280x32xf32, #tpu.memory_space<vmem>>, vector<16xf32>,
          %mul3A_457 = arith.mulf %get3A_456, %gather3A_442 : vector<16xf32>
          %swap3A_458 = arith.index_cast %add3A_446 : i32 to index
          %swap3A_459 = arith.constant 16 : index
          %swap3A_460 = tpu.vector_load %arg7[%swap3A_458, %swap3A_459] {strides = array<i32>} : memref<1280x32xf32, #tpu.memory_space<vmem>>, vector<16xf32>,
          tpu.vector_store %arg7[%swap3A_458, %swap3A_459], %mul3A_457 {strides = array<i32>} : memref<1280x32xf32, #tpu.memory_space<vmem>>, vector<16xf32>,
          %broadcast_in_dim3A_461 = arith.constant 15 : i32
          %broadcast_in_dim3A_462 = vector.broadcast %broadcast_in_dim3A_461 : i32 to vector<16x1xi32>
          %gather3A_463 = vector.shape_cast %broadcast_in_dim3A_462 : vector<16x1xi32> to vector<16xi32>
          %gather3A_464 = tpu.dynamic_gather %select_n3A[%gather3A_463] in [0] : vector<16xf32>, vector<16xi32> -> vector<16xf32>
          %mul3A_465 = arith.constant 16 : i32
          %mul3A_466 = arith.muli %scan3A_123, %mul3A_465 : i32
          %add3A_467 = arith.constant 15 : i32
          %add3A_468 = arith.addi %mul3A_466, %add3A_467 : i32
          %get3A_469 = arith.index_cast %add3A_468 : i32 to index
          %get3A_470 = arith.constant 0 : index
          %get3A_471 = tpu.vector_load %arg7[%get3A_469, %get3A_470] {strides = array<i32>} : memref<1280x32xf32, #tpu.memory_space<vmem>>, vector<16xf32>,
          %mul3A_472 = arith.mulf %get3A_471, %gather3A_464 : vector<16xf32>
          %swap3A_473 = arith.index_cast %add3A_468 : i32 to index
          %swap3A_474 = arith.constant 0 : index
          %swap3A_475 = tpu.vector_load %arg7[%swap3A_473, %swap3A_474] {strides = array<i32>} : memref<1280x32xf32, #tpu.memory_space<vmem>>, vector<16xf32>,
          tpu.vector_store %arg7[%swap3A_473, %swap3A_474], %mul3A_472 {strides = array<i32>} : memref<1280x32xf32, #tpu.memory_space<vmem>>, vector<16xf32>,
          %get3A_476 = arith.index_cast %add3A_468 : i32 to index
          %get3A_477 = arith.constant 16 : index
          %get3A_478 = tpu.vector_load %arg7[%get3A_476, %get3A_477] {strides = array<i32>} : memref<1280x32xf32, #tpu.memory_space<vmem>>, vector<16xf32>,
          %mul3A_479 = arith.mulf %get3A_478, %gather3A_464 : vector<16xf32>
          %swap3A_480 = arith.index_cast %add3A_468 : i32 to index
          %swap3A_481 = arith.constant 16 : index
          %swap3A_482 = tpu.vector_load %arg7[%swap3A_480, %swap3A_481] {strides = array<i32>} : memref<1280x32xf32, #tpu.memory_space<vmem>>, vector<16xf32>,
          tpu.vector_store %arg7[%swap3A_480, %swap3A_481], %mul3A_479 {strides = array<i32>} : memref<1280x32xf32, #tpu.memory_space<vmem>>, vector<16xf32>,
        }
        %scan3A_122 = arith.constant 80 : i32
      } else {
      }
      %mul3A_59 = arith.constant 1280 : i32
      %mul3A_60 = arith.muli %mul3A_28, %mul3A_59 : i32
      %add3A_61 = arith.addi %multiple_of3A, %mul3A_60 : i32
      %multiple_of3A_62 = tpu.assume_multiple %add3A_61, 8 : i32
      %dma_start3A_63 = arith.constant 0 : i32
      %dma_start3A_64 = tpu.memref_slice %arg4[%multiple_of3A_62, %dma_start3A_63] : memref<819200x128xf32, #tpu.memory_space<hbm>> -> memref<1280x32xf32, #tpu.memory_space<hbm>>
      %dma_start3A_65 = arith.constant 0 : i32
      %dma_start3A_66 = tpu.memref_slice %arg4[%multiple_of3A_62, %dma_start3A_65] : memref<819200x128xf32, #tpu.memory_space<hbm>> -> memref<1280x32xf32, #tpu.memory_space<hbm>>
      tpu.enqueue_dma source(%arg7 : memref<1280x32xf32, #tpu.memory_space<vmem>>) target(%dma_start3A_66 : memref<1280x32xf32, #tpu.memory_space<hbm>>) target_semaphore(%arg11 : memref<!tpu.dma_semaphore, #tpu.memory_space<semaphore_mem>>)
      %mul3A_67 = arith.constant 2 : i32
      %mul3A_68 = arith.muli %mul3A_67, %scan3A_26 : i32
      %add3A_69 = arith.constant 1 : i32
      %add3A_70 = arith.addi %mul3A_68, %add3A_69 : i32
      %add3A_71 = arith.constant 1 : i32
      %add3A_72 = arith.addi %scan3A_26, %add3A_71 : i32
      %add3A_73 = arith.constant 1 : i32
      %add3A_74 = arith.addi %add3A_70, %add3A_73 : i32
      %lt3A_75 = arith.constant 20 : i32
      %lt3A_76 = arith.cmpi slt, %add3A_74, %lt3A_75 : i32
      %convert_element_type3A_77 = arith.extui %lt3A_76 : i1 to i32
      %cond3A_78 = arith.constant 0 : i32
      %cond3A_79 = arith.cmpi ne, %convert_element_type3A_77, %cond3A_78 : i32
      scf.if %cond3A_79 {
        %gt3A = arith.constant 0 : i32
        %gt3A_117 = arith.cmpi sgt, %add3A_72, %gt3A : i32
        %convert_element_type3A_118 = arith.extui %gt3A_117 : i1 to i32
        %cond3A_119 = arith.constant 0 : i32
        %cond3A_120 = arith.cmpi ne, %convert_element_type3A_118, %cond3A_119 : i32
        scf.if %cond3A_120 {
          %sub3A = arith.constant 1 : i32
          %sub3A_130 = arith.subi %add3A_70, %sub3A : i32
          %mul3A_131 = arith.constant 1280 : i32
          %mul3A_132 = arith.muli %sub3A_130, %mul3A_131 : i32
          %add3A_133 = arith.addi %multiple_of3A, %mul3A_132 : i32
          %multiple_of3A_134 = tpu.assume_multiple %add3A_133, 8 : i32
          %dma_wait3A_135 = arith.constant 0 : i32
          %dma_wait3A_136 = tpu.memref_slice %arg4[%multiple_of3A_134, %dma_wait3A_135] : memref<819200x128xf32, #tpu.memory_space<hbm>> -> memref<1280x32xf32, #tpu.memory_space<hbm>>
          %dma_wait3A_137 = arith.constant 0 : i32
          %dma_wait3A_138 = tpu.memref_slice %arg4[%multiple_of3A_134, %dma_wait3A_137] : memref<819200x128xf32, #tpu.memory_space<hbm>> -> memref<1280x32xf32, #tpu.memory_space<hbm>>
          tpu.wait_dma2 semaphore(%arg11 : memref<!tpu.dma_semaphore, #tpu.memory_space<semaphore_mem>>) src(%arg7 : memref<1280x32xf32, #tpu.memory_space<vmem>>) dst(%dma_wait3A_138 : memref<1280x32xf32, #tpu.memory_space<hbm>>)
        } else {
        }
        %add3A_121 = arith.constant 1 : i32
        %add3A_122 = arith.addi %add3A_70, %add3A_121 : i32
        %mul3A_123 = arith.constant 1280 : i32
        %mul3A_124 = arith.muli %add3A_122, %mul3A_123 : i32
        %add3A_125 = arith.addi %multiple_of3A, %mul3A_124 : i32
        %multiple_of3A_126 = tpu.assume_multiple %add3A_125, 8 : i32
        "tpu.region"() ({
          %run_scoped3A = tpu.sem_alloc : memref<!tpu.dma_semaphore, #tpu.memory_space<semaphore_mem>>
          %dma_start3A_130 = tpu.memref_slice %arg2[%multiple_of3A_126] : memref<819200xi32, #tpu.memory_space<hbm>> -> memref<1280xi32, #tpu.memory_space<hbm>>
          %dma_start3A_131 = tpu.memref_slice %arg2[%multiple_of3A_126] : memref<819200xi32, #tpu.memory_space<hbm>> -> memref<1280xi32, #tpu.memory_space<hbm>>
          tpu.enqueue_dma source(%dma_start3A_131 : memref<1280xi32, #tpu.memory_space<hbm>>) target(%arg5 : memref<1280xi32, #tpu.memory_space<vmem>>) target_semaphore(%run_scoped3A : memref<!tpu.dma_semaphore, #tpu.memory_space<semaphore_mem>>)
          %dma_wait3A_132 = tpu.memref_slice %arg2[%multiple_of3A_126] : memref<819200xi32, #tpu.memory_space<hbm>> -> memref<1280xi32, #tpu.memory_space<hbm>>
          %dma_wait3A_133 = tpu.memref_slice %arg2[%multiple_of3A_126] : memref<819200xi32, #tpu.memory_space<hbm>> -> memref<1280xi32, #tpu.memory_space<hbm>>
          tpu.wait_dma2 semaphore(%run_scoped3A : memref<!tpu.dma_semaphore, #tpu.memory_space<semaphore_mem>>) src(%dma_wait3A_133 : memref<1280xi32, #tpu.memory_space<hbm>>) dst(%arg5 : memref<1280xi32, #tpu.memory_space<vmem>>)
          tpu.yield
        }) : () -> ()
        %dma_start3A_127 = arith.constant 0 : i32
        %dma_start3A_128 = arith.constant 0 : i32
        %dma_start3A_129 = tpu.memref_slice %arg3[%dma_start3A_127, %dma_start3A_128] : memref<1000001x32xf32, #tpu.memory_space<hbm>> -> memref<1000001x32xf32, #tpu.memory_space<hbm>>
        tpu.enqueue_indirect_dma source(%dma_start3A_129 : memref<1000001x32xf32, #tpu.memory_space<hbm>>) target(%arg7 : memref<1280x32xf32, #tpu.memory_space<vmem>>) offsets(%arg5 : memref<1280xi32, #tpu.memory_space<vmem>>) semaphore(%arg9 : memref<!tpu.dma_semaphore, #tpu.memory_space<semaphore_mem>>)
      } else {
      }
      %mul3A_80 = arith.constant 1280 : i32
      %mul3A_81 = arith.muli %add3A_70, %mul3A_80 : i32
      %add3A_82 = arith.addi %multiple_of3A, %mul3A_81 : i32
      %multiple_of3A_83 = tpu.assume_multiple %add3A_82, 8 : i32
      %dma_wait3A_84 = arith.constant 0 : i32
      %dma_wait3A_85 = tpu.memref_slice %arg4[%multiple_of3A_83, %dma_wait3A_84] : memref<819200x128xf32, #tpu.memory_space<hbm>> -> memref<1280x32xf32, #tpu.memory_space<hbm>>
      %dma_wait3A_86 = arith.constant 0 : i32
      %dma_wait3A_87 = tpu.memref_slice %arg4[%multiple_of3A_83, %dma_wait3A_86] : memref<819200x128xf32, #tpu.memory_space<hbm>> -> memref<1280x32xf32, #tpu.memory_space<hbm>>
      tpu.wait_dma2 semaphore(%arg10 : memref<!tpu.dma_semaphore, #tpu.memory_space<semaphore_mem>>) src(%dma_wait3A_87 : memref<1280x32xf32, #tpu.memory_space<hbm>>) dst(%arg8 : memref<1280x32xf32, #tpu.memory_space<vmem>>)
      %broadcast_in_dim3A_88 = arith.constant 1 : i32
      %broadcast_in_dim3A_89 = vector.broadcast %broadcast_in_dim3A_88 : i32 to vector<16xi32>
      %scan3A_90 = arith.constant 0 : i32
      %scan3A_91 = arith.constant 80 : i32
      %scan3A_92 = arith.addi %scan3A_90, %scan3A_91 : i32
      %scan3A_93 = arith.constant 8 : i32
      %scan3A_94 = scf.for %scan3A_117 = %scan3A_90 to %scan3A_92 step %scan3A_93 iter_args(%scan3A_118 = %broadcast_in_dim3A_89) -> (vector<16xi32>)  : i32 {
        %mul3A_119 = arith.constant 16 : i32
        %mul3A_120 = arith.muli %scan3A_117, %mul3A_119 : i32
        %get3A = arith.index_cast %mul3A_120 : i32 to index
        %get3A_121 = tpu.vector_load %arg6[%get3A] {strides = array<i32>} : memref<1280xi32, #tpu.memory_space<vmem>>, vector<16xi32>,
        %min3A = arith.minsi %scan3A_118, %get3A_121 : vector<16xi32>
        %scan3A_122 = arith.constant 1 : i32
        %scan3A_123 = arith.addi %scan3A_117, %scan3A_122 : i32
        %mul3A_124 = arith.constant 16 : i32
        %mul3A_125 = arith.muli %scan3A_123, %mul3A_124 : i32
        %get3A_126 = arith.index_cast %mul3A_125 : i32 to index
        %get3A_127 = tpu.vector_load %arg6[%get3A_126] {strides = array<i32>} : memref<1280xi32, #tpu.memory_space<vmem>>, vector<16xi32>,
        %min3A_128 = arith.minsi %min3A, %get3A_127 : vector<16xi32>
        %scan3A_129 = arith.constant 2 : i32
        %scan3A_130 = arith.addi %scan3A_117, %scan3A_129 : i32
        %mul3A_131 = arith.constant 16 : i32
        %mul3A_132 = arith.muli %scan3A_130, %mul3A_131 : i32
        %get3A_133 = arith.index_cast %mul3A_132 : i32 to index
        %get3A_134 = tpu.vector_load %arg6[%get3A_133] {strides = array<i32>} : memref<1280xi32, #tpu.memory_space<vmem>>, vector<16xi32>,
        %min3A_135 = arith.minsi %min3A_128, %get3A_134 : vector<16xi32>
        %scan3A_136 = arith.constant 3 : i32
        %scan3A_137 = arith.addi %scan3A_117, %scan3A_136 : i32
        %mul3A_138 = arith.constant 16 : i32
        %mul3A_139 = arith.muli %scan3A_137, %mul3A_138 : i32
        %get3A_140 = arith.index_cast %mul3A_139 : i32 to index
        %get3A_141 = tpu.vector_load %arg6[%get3A_140] {strides = array<i32>} : memref<1280xi32, #tpu.memory_space<vmem>>, vector<16xi32>,
        %min3A_142 = arith.minsi %min3A_135, %get3A_141 : vector<16xi32>
        %scan3A_143 = arith.constant 4 : i32
        %scan3A_144 = arith.addi %scan3A_117, %scan3A_143 : i32
        %mul3A_145 = arith.constant 16 : i32
        %mul3A_146 = arith.muli %scan3A_144, %mul3A_145 : i32
        %get3A_147 = arith.index_cast %mul3A_146 : i32 to index
        %get3A_148 = tpu.vector_load %arg6[%get3A_147] {strides = array<i32>} : memref<1280xi32, #tpu.memory_space<vmem>>, vector<16xi32>,
        %min3A_149 = arith.minsi %min3A_142, %get3A_148 : vector<16xi32>
        %scan3A_150 = arith.constant 5 : i32
        %scan3A_151 = arith.addi %scan3A_117, %scan3A_150 : i32
        %mul3A_152 = arith.constant 16 : i32
        %mul3A_153 = arith.muli %scan3A_151, %mul3A_152 : i32
        %get3A_154 = arith.index_cast %mul3A_153 : i32 to index
        %get3A_155 = tpu.vector_load %arg6[%get3A_154] {strides = array<i32>} : memref<1280xi32, #tpu.memory_space<vmem>>, vector<16xi32>,
        %min3A_156 = arith.minsi %min3A_149, %get3A_155 : vector<16xi32>
        %scan3A_157 = arith.constant 6 : i32
        %scan3A_158 = arith.addi %scan3A_117, %scan3A_157 : i32
        %mul3A_159 = arith.constant 16 : i32
        %mul3A_160 = arith.muli %scan3A_158, %mul3A_159 : i32
        %get3A_161 = arith.index_cast %mul3A_160 : i32 to index
        %get3A_162 = tpu.vector_load %arg6[%get3A_161] {strides = array<i32>} : memref<1280xi32, #tpu.memory_space<vmem>>, vector<16xi32>,
        %min3A_163 = arith.minsi %min3A_156, %get3A_162 : vector<16xi32>
        %scan3A_164 = arith.constant 7 : i32
        %scan3A_165 = arith.addi %scan3A_117, %scan3A_164 : i32
        %mul3A_166 = arith.constant 16 : i32
        %mul3A_167 = arith.muli %scan3A_165, %mul3A_166 : i32
        %get3A_168 = arith.index_cast %mul3A_167 : i32 to index
        %get3A_169 = tpu.vector_load %arg6[%get3A_168] {strides = array<i32>} : memref<1280xi32, #tpu.memory_space<vmem>>, vector<16xi32>,
        %min3A_170 = arith.minsi %min3A_163, %get3A_169 : vector<16xi32>
        scf.yield %min3A_170 : vector<16xi32>
      }
      %scan3A_95 = arith.constant 80 : i32
      %reduce_min3A_96 = arith.constant true
      %reduce_min3A_97 = vector.broadcast %reduce_min3A_96 : i1 to vector<16xi1>
      %reduce_min3A_98 = arith.constant -2147483648 : i32
      %reduce_min3A_99 = vector.broadcast %reduce_min3A_98 : i32 to vector<16xi32>
      %reduce_min3A_100 = arith.xori %scan3A_94, %reduce_min3A_99 : vector<16xi32>
      %reduce_min3A_101 = tpu.scan <min>, %reduce_min3A_100 masked %reduce_min3A_97 : vector<16xi32>, vector<16xi1> -> vector<16xi32>
      %reduce_min3A_102 = arith.xori %reduce_min3A_101, %reduce_min3A_99 : vector<16xi32>
      %reduce_min3A_103 = vector.extract %reduce_min3A_102[15] : i32 from vector<16xi32>
      %eq3A_104 = arith.constant 0 : i32
      %eq3A_105 = arith.cmpi eq, %reduce_min3A_103, %eq3A_104 : i32
      %convert_element_type3A_106 = arith.extui %eq3A_105 : i1 to i32
      %cond3A_107 = arith.constant 0 : i32
      %cond3A_108 = arith.cmpi ne, %convert_element_type3A_106, %cond3A_107 : i32
      scf.if %cond3A_108 {
        %scan3A_117 = arith.constant 0 : i32
        %scan3A_118 = arith.constant 0 : i32
        %scan3A_119 = arith.constant 80 : i32
        %scan3A_120 = arith.addi %scan3A_118, %scan3A_119 : i32
        %scan3A_121 = arith.constant 1 : i32
        scf.for %scan3A_123 = %scan3A_118 to %scan3A_120 step %scan3A_121  : i32 {
          %mul3A_124 = arith.constant 16 : i32
          %mul3A_125 = arith.muli %scan3A_123, %mul3A_124 : i32
          %get3A = arith.index_cast %mul3A_125 : i32 to index
          %get3A_126 = tpu.vector_load %arg6[%get3A] {strides = array<i32>} : memref<1280xi32, #tpu.memory_space<vmem>>, vector<16xi32>,
          %eq3A_127 = arith.constant 0 : i32
          %eq3A_128 = vector.broadcast %eq3A_127 : i32 to vector<16xi32>
          %eq3A_129 = arith.cmpi eq, %get3A_126, %eq3A_128 : vector<16xi32>
          %jit3A = arith.constant 0.000000e+00 : f32
          %jit3A_130 = arith.constant 1.000000e+00 : f32
          %broadcast_in_dim3A_131 = vector.broadcast %jit3A : f32 to vector<16xf32>
          %broadcast_in_dim3A_132 = vector.broadcast %jit3A_130 : f32 to vector<16xf32>
          %select_n3A = arith.select %eq3A_129, %broadcast_in_dim3A_131, %broadcast_in_dim3A_132 : vector<16xi1>, vector<16xf32>
          %broadcast_in_dim3A_133 = arith.constant 0 : i32
          %broadcast_in_dim3A_134 = vector.broadcast %broadcast_in_dim3A_133 : i32 to vector<16x1xi32>
          %gather3A = vector.shape_cast %broadcast_in_dim3A_134 : vector<16x1xi32> to vector<16xi32>
          %gather3A_135 = tpu.dynamic_gather %select_n3A[%gather3A] in [0] : vector<16xf32>, vector<16xi32> -> vector<16xf32>
          %mul3A_136 = arith.constant 16 : i32
          %mul3A_137 = arith.muli %scan3A_123, %mul3A_136 : i32
          %add3A_138 = arith.constant 0 : i32
          %add3A_139 = arith.addi %mul3A_137, %add3A_138 : i32
          %get3A_140 = arith.index_cast %add3A_139 : i32 to index
          %get3A_141 = arith.constant 0 : index
          %get3A_142 = tpu.vector_load %arg8[%get3A_140, %get3A_141] {strides = array<i32>} : memref<1280x32xf32, #tpu.memory_space<vmem>>, vector<16xf32>,
          %mul3A_143 = arith.mulf %get3A_142, %gather3A_135 : vector<16xf32>
          %swap3A = arith.index_cast %add3A_139 : i32 to index
          %swap3A_144 = arith.constant 0 : index
          %swap3A_145 = tpu.vector_load %arg8[%swap3A, %swap3A_144] {strides = array<i32>} : memref<1280x32xf32, #tpu.memory_space<vmem>>, vector<16xf32>,
          tpu.vector_store %arg8[%swap3A, %swap3A_144], %mul3A_143 {strides = array<i32>} : memref<1280x32xf32, #tpu.memory_space<vmem>>, vector<16xf32>,
          %get3A_146 = arith.index_cast %add3A_139 : i32 to index
          %get3A_147 = arith.constant 16 : index
          %get3A_148 = tpu.vector_load %arg8[%get3A_146, %get3A_147] {strides = array<i32>} : memref<1280x32xf32, #tpu.memory_space<vmem>>, vector<16xf32>,
          %mul3A_149 = arith.mulf %get3A_148, %gather3A_135 : vector<16xf32>
          %swap3A_150 = arith.index_cast %add3A_139 : i32 to index
          %swap3A_151 = arith.constant 16 : index
          %swap3A_152 = tpu.vector_load %arg8[%swap3A_150, %swap3A_151] {strides = array<i32>} : memref<1280x32xf32, #tpu.memory_space<vmem>>, vector<16xf32>,
          tpu.vector_store %arg8[%swap3A_150, %swap3A_151], %mul3A_149 {strides = array<i32>} : memref<1280x32xf32, #tpu.memory_space<vmem>>, vector<16xf32>,
          %broadcast_in_dim3A_153 = arith.constant 1 : i32
          %broadcast_in_dim3A_154 = vector.broadcast %broadcast_in_dim3A_153 : i32 to vector<16x1xi32>
          %gather3A_155 = vector.shape_cast %broadcast_in_dim3A_154 : vector<16x1xi32> to vector<16xi32>
          %gather3A_156 = tpu.dynamic_gather %select_n3A[%gather3A_155] in [0] : vector<16xf32>, vector<16xi32> -> vector<16xf32>
          %mul3A_157 = arith.constant 16 : i32
          %mul3A_158 = arith.muli %scan3A_123, %mul3A_157 : i32
          %add3A_159 = arith.constant 1 : i32
          %add3A_160 = arith.addi %mul3A_158, %add3A_159 : i32
          %get3A_161 = arith.index_cast %add3A_160 : i32 to index
          %get3A_162 = arith.constant 0 : index
          %get3A_163 = tpu.vector_load %arg8[%get3A_161, %get3A_162] {strides = array<i32>} : memref<1280x32xf32, #tpu.memory_space<vmem>>, vector<16xf32>,
          %mul3A_164 = arith.mulf %get3A_163, %gather3A_156 : vector<16xf32>
          %swap3A_165 = arith.index_cast %add3A_160 : i32 to index
          %swap3A_166 = arith.constant 0 : index
          %swap3A_167 = tpu.vector_load %arg8[%swap3A_165, %swap3A_166] {strides = array<i32>} : memref<1280x32xf32, #tpu.memory_space<vmem>>, vector<16xf32>,
          tpu.vector_store %arg8[%swap3A_165, %swap3A_166], %mul3A_164 {strides = array<i32>} : memref<1280x32xf32, #tpu.memory_space<vmem>>, vector<16xf32>,
          %get3A_168 = arith.index_cast %add3A_160 : i32 to index
          %get3A_169 = arith.constant 16 : index
          %get3A_170 = tpu.vector_load %arg8[%get3A_168, %get3A_169] {strides = array<i32>} : memref<1280x32xf32, #tpu.memory_space<vmem>>, vector<16xf32>,
          %mul3A_171 = arith.mulf %get3A_170, %gather3A_156 : vector<16xf32>
          %swap3A_172 = arith.index_cast %add3A_160 : i32 to index
          %swap3A_173 = arith.constant 16 : index
          %swap3A_174 = tpu.vector_load %arg8[%swap3A_172, %swap3A_173] {strides = array<i32>} : memref<1280x32xf32, #tpu.memory_space<vmem>>, vector<16xf32>,
          tpu.vector_store %arg8[%swap3A_172, %swap3A_173], %mul3A_171 {strides = array<i32>} : memref<1280x32xf32, #tpu.memory_space<vmem>>, vector<16xf32>,
          %broadcast_in_dim3A_175 = arith.constant 2 : i32
          %broadcast_in_dim3A_176 = vector.broadcast %broadcast_in_dim3A_175 : i32 to vector<16x1xi32>
          %gather3A_177 = vector.shape_cast %broadcast_in_dim3A_176 : vector<16x1xi32> to vector<16xi32>
          %gather3A_178 = tpu.dynamic_gather %select_n3A[%gather3A_177] in [0] : vector<16xf32>, vector<16xi32> -> vector<16xf32>
          %mul3A_179 = arith.constant 16 : i32
          %mul3A_180 = arith.muli %scan3A_123, %mul3A_179 : i32
          %add3A_181 = arith.constant 2 : i32
          %add3A_182 = arith.addi %mul3A_180, %add3A_181 : i32
          %get3A_183 = arith.index_cast %add3A_182 : i32 to index
          %get3A_184 = arith.constant 0 : index
          %get3A_185 = tpu.vector_load %arg8[%get3A_183, %get3A_184] {strides = array<i32>} : memref<1280x32xf32, #tpu.memory_space<vmem>>, vector<16xf32>,
          %mul3A_186 = arith.mulf %get3A_185, %gather3A_178 : vector<16xf32>
          %swap3A_187 = arith.index_cast %add3A_182 : i32 to index
          %swap3A_188 = arith.constant 0 : index
          %swap3A_189 = tpu.vector_load %arg8[%swap3A_187, %swap3A_188] {strides = array<i32>} : memref<1280x32xf32, #tpu.memory_space<vmem>>, vector<16xf32>,
          tpu.vector_store %arg8[%swap3A_187, %swap3A_188], %mul3A_186 {strides = array<i32>} : memref<1280x32xf32, #tpu.memory_space<vmem>>, vector<16xf32>,
          %get3A_190 = arith.index_cast %add3A_182 : i32 to index
          %get3A_191 = arith.constant 16 : index
          %get3A_192 = tpu.vector_load %arg8[%get3A_190, %get3A_191] {strides = array<i32>} : memref<1280x32xf32, #tpu.memory_space<vmem>>, vector<16xf32>,
          %mul3A_193 = arith.mulf %get3A_192, %gather3A_178 : vector<16xf32>
          %swap3A_194 = arith.index_cast %add3A_182 : i32 to index
          %swap3A_195 = arith.constant 16 : index
          %swap3A_196 = tpu.vector_load %arg8[%swap3A_194, %swap3A_195] {strides = array<i32>} : memref<1280x32xf32, #tpu.memory_space<vmem>>, vector<16xf32>,
          tpu.vector_store %arg8[%swap3A_194, %swap3A_195], %mul3A_193 {strides = array<i32>} : memref<1280x32xf32, #tpu.memory_space<vmem>>, vector<16xf32>,
          %broadcast_in_dim3A_197 = arith.constant 3 : i32
          %broadcast_in_dim3A_198 = vector.broadcast %broadcast_in_dim3A_197 : i32 to vector<16x1xi32>
          %gather3A_199 = vector.shape_cast %broadcast_in_dim3A_198 : vector<16x1xi32> to vector<16xi32>
          %gather3A_200 = tpu.dynamic_gather %select_n3A[%gather3A_199] in [0] : vector<16xf32>, vector<16xi32> -> vector<16xf32>
          %mul3A_201 = arith.constant 16 : i32
          %mul3A_202 = arith.muli %scan3A_123, %mul3A_201 : i32
          %add3A_203 = arith.constant 3 : i32
          %add3A_204 = arith.addi %mul3A_202, %add3A_203 : i32
          %get3A_205 = arith.index_cast %add3A_204 : i32 to index
          %get3A_206 = arith.constant 0 : index
          %get3A_207 = tpu.vector_load %arg8[%get3A_205, %get3A_206] {strides = array<i32>} : memref<1280x32xf32, #tpu.memory_space<vmem>>, vector<16xf32>,
          %mul3A_208 = arith.mulf %get3A_207, %gather3A_200 : vector<16xf32>
          %swap3A_209 = arith.index_cast %add3A_204 : i32 to index
          %swap3A_210 = arith.constant 0 : index
          %swap3A_211 = tpu.vector_load %arg8[%swap3A_209, %swap3A_210] {strides = array<i32>} : memref<1280x32xf32, #tpu.memory_space<vmem>>, vector<16xf32>,
          tpu.vector_store %arg8[%swap3A_209, %swap3A_210], %mul3A_208 {strides = array<i32>} : memref<1280x32xf32, #tpu.memory_space<vmem>>, vector<16xf32>,
          %get3A_212 = arith.index_cast %add3A_204 : i32 to index
          %get3A_213 = arith.constant 16 : index
          %get3A_214 = tpu.vector_load %arg8[%get3A_212, %get3A_213] {strides = array<i32>} : memref<1280x32xf32, #tpu.memory_space<vmem>>, vector<16xf32>,
          %mul3A_215 = arith.mulf %get3A_214, %gather3A_200 : vector<16xf32>
          %swap3A_216 = arith.index_cast %add3A_204 : i32 to index
          %swap3A_217 = arith.constant 16 : index
          %swap3A_218 = tpu.vector_load %arg8[%swap3A_216, %swap3A_217] {strides = array<i32>} : memref<1280x32xf32, #tpu.memory_space<vmem>>, vector<16xf32>,
          tpu.vector_store %arg8[%swap3A_216, %swap3A_217], %mul3A_215 {strides = array<i32>} : memref<1280x32xf32, #tpu.memory_space<vmem>>, vector<16xf32>,
          %broadcast_in_dim3A_219 = arith.constant 4 : i32
          %broadcast_in_dim3A_220 = vector.broadcast %broadcast_in_dim3A_219 : i32 to vector<16x1xi32>
          %gather3A_221 = vector.shape_cast %broadcast_in_dim3A_220 : vector<16x1xi32> to vector<16xi32>
          %gather3A_222 = tpu.dynamic_gather %select_n3A[%gather3A_221] in [0] : vector<16xf32>, vector<16xi32> -> vector<16xf32>
          %mul3A_223 = arith.constant 16 : i32
          %mul3A_224 = arith.muli %scan3A_123, %mul3A_223 : i32
          %add3A_225 = arith.constant 4 : i32
          %add3A_226 = arith.addi %mul3A_224, %add3A_225 : i32
          %get3A_227 = arith.index_cast %add3A_226 : i32 to index
          %get3A_228 = arith.constant 0 : index
          %get3A_229 = tpu.vector_load %arg8[%get3A_227, %get3A_228] {strides = array<i32>} : memref<1280x32xf32, #tpu.memory_space<vmem>>, vector<16xf32>,
          %mul3A_230 = arith.mulf %get3A_229, %gather3A_222 : vector<16xf32>
          %swap3A_231 = arith.index_cast %add3A_226 : i32 to index
          %swap3A_232 = arith.constant 0 : index
          %swap3A_233 = tpu.vector_load %arg8[%swap3A_231, %swap3A_232] {strides = array<i32>} : memref<1280x32xf32, #tpu.memory_space<vmem>>, vector<16xf32>,
          tpu.vector_store %arg8[%swap3A_231, %swap3A_232], %mul3A_230 {strides = array<i32>} : memref<1280x32xf32, #tpu.memory_space<vmem>>, vector<16xf32>,
          %get3A_234 = arith.index_cast %add3A_226 : i32 to index
          %get3A_235 = arith.constant 16 : index
          %get3A_236 = tpu.vector_load %arg8[%get3A_234, %get3A_235] {strides = array<i32>} : memref<1280x32xf32, #tpu.memory_space<vmem>>, vector<16xf32>,
          %mul3A_237 = arith.mulf %get3A_236, %gather3A_222 : vector<16xf32>
          %swap3A_238 = arith.index_cast %add3A_226 : i32 to index
          %swap3A_239 = arith.constant 16 : index
          %swap3A_240 = tpu.vector_load %arg8[%swap3A_238, %swap3A_239] {strides = array<i32>} : memref<1280x32xf32, #tpu.memory_space<vmem>>, vector<16xf32>,
          tpu.vector_store %arg8[%swap3A_238, %swap3A_239], %mul3A_237 {strides = array<i32>} : memref<1280x32xf32, #tpu.memory_space<vmem>>, vector<16xf32>,
          %broadcast_in_dim3A_241 = arith.constant 5 : i32
          %broadcast_in_dim3A_242 = vector.broadcast %broadcast_in_dim3A_241 : i32 to vector<16x1xi32>
          %gather3A_243 = vector.shape_cast %broadcast_in_dim3A_242 : vector<16x1xi32> to vector<16xi32>
          %gather3A_244 = tpu.dynamic_gather %select_n3A[%gather3A_243] in [0] : vector<16xf32>, vector<16xi32> -> vector<16xf32>
          %mul3A_245 = arith.constant 16 : i32
          %mul3A_246 = arith.muli %scan3A_123, %mul3A_245 : i32
          %add3A_247 = arith.constant 5 : i32
          %add3A_248 = arith.addi %mul3A_246, %add3A_247 : i32
          %get3A_249 = arith.index_cast %add3A_248 : i32 to index
          %get3A_250 = arith.constant 0 : index
          %get3A_251 = tpu.vector_load %arg8[%get3A_249, %get3A_250] {strides = array<i32>} : memref<1280x32xf32, #tpu.memory_space<vmem>>, vector<16xf32>,
          %mul3A_252 = arith.mulf %get3A_251, %gather3A_244 : vector<16xf32>
          %swap3A_253 = arith.index_cast %add3A_248 : i32 to index
          %swap3A_254 = arith.constant 0 : index
          %swap3A_255 = tpu.vector_load %arg8[%swap3A_253, %swap3A_254] {strides = array<i32>} : memref<1280x32xf32, #tpu.memory_space<vmem>>, vector<16xf32>,
          tpu.vector_store %arg8[%swap3A_253, %swap3A_254], %mul3A_252 {strides = array<i32>} : memref<1280x32xf32, #tpu.memory_space<vmem>>, vector<16xf32>,
          %get3A_256 = arith.index_cast %add3A_248 : i32 to index
          %get3A_257 = arith.constant 16 : index
          %get3A_258 = tpu.vector_load %arg8[%get3A_256, %get3A_257] {strides = array<i32>} : memref<1280x32xf32, #tpu.memory_space<vmem>>, vector<16xf32>,
          %mul3A_259 = arith.mulf %get3A_258, %gather3A_244 : vector<16xf32>
          %swap3A_260 = arith.index_cast %add3A_248 : i32 to index
          %swap3A_261 = arith.constant 16 : index
          %swap3A_262 = tpu.vector_load %arg8[%swap3A_260, %swap3A_261] {strides = array<i32>} : memref<1280x32xf32, #tpu.memory_space<vmem>>, vector<16xf32>,
          tpu.vector_store %arg8[%swap3A_260, %swap3A_261], %mul3A_259 {strides = array<i32>} : memref<1280x32xf32, #tpu.memory_space<vmem>>, vector<16xf32>,
          %broadcast_in_dim3A_263 = arith.constant 6 : i32
          %broadcast_in_dim3A_264 = vector.broadcast %broadcast_in_dim3A_263 : i32 to vector<16x1xi32>
          %gather3A_265 = vector.shape_cast %broadcast_in_dim3A_264 : vector<16x1xi32> to vector<16xi32>
          %gather3A_266 = tpu.dynamic_gather %select_n3A[%gather3A_265] in [0] : vector<16xf32>, vector<16xi32> -> vector<16xf32>
          %mul3A_267 = arith.constant 16 : i32
          %mul3A_268 = arith.muli %scan3A_123, %mul3A_267 : i32
          %add3A_269 = arith.constant 6 : i32
          %add3A_270 = arith.addi %mul3A_268, %add3A_269 : i32
          %get3A_271 = arith.index_cast %add3A_270 : i32 to index
          %get3A_272 = arith.constant 0 : index
          %get3A_273 = tpu.vector_load %arg8[%get3A_271, %get3A_272] {strides = array<i32>} : memref<1280x32xf32, #tpu.memory_space<vmem>>, vector<16xf32>,
          %mul3A_274 = arith.mulf %get3A_273, %gather3A_266 : vector<16xf32>
          %swap3A_275 = arith.index_cast %add3A_270 : i32 to index
          %swap3A_276 = arith.constant 0 : index
          %swap3A_277 = tpu.vector_load %arg8[%swap3A_275, %swap3A_276] {strides = array<i32>} : memref<1280x32xf32, #tpu.memory_space<vmem>>, vector<16xf32>,
          tpu.vector_store %arg8[%swap3A_275, %swap3A_276], %mul3A_274 {strides = array<i32>} : memref<1280x32xf32, #tpu.memory_space<vmem>>, vector<16xf32>,
          %get3A_278 = arith.index_cast %add3A_270 : i32 to index
          %get3A_279 = arith.constant 16 : index
          %get3A_280 = tpu.vector_load %arg8[%get3A_278, %get3A_279] {strides = array<i32>} : memref<1280x32xf32, #tpu.memory_space<vmem>>, vector<16xf32>,
          %mul3A_281 = arith.mulf %get3A_280, %gather3A_266 : vector<16xf32>
          %swap3A_282 = arith.index_cast %add3A_270 : i32 to index
          %swap3A_283 = arith.constant 16 : index
          %swap3A_284 = tpu.vector_load %arg8[%swap3A_282, %swap3A_283] {strides = array<i32>} : memref<1280x32xf32, #tpu.memory_space<vmem>>, vector<16xf32>,
          tpu.vector_store %arg8[%swap3A_282, %swap3A_283], %mul3A_281 {strides = array<i32>} : memref<1280x32xf32, #tpu.memory_space<vmem>>, vector<16xf32>,
          %broadcast_in_dim3A_285 = arith.constant 7 : i32
          %broadcast_in_dim3A_286 = vector.broadcast %broadcast_in_dim3A_285 : i32 to vector<16x1xi32>
          %gather3A_287 = vector.shape_cast %broadcast_in_dim3A_286 : vector<16x1xi32> to vector<16xi32>
          %gather3A_288 = tpu.dynamic_gather %select_n3A[%gather3A_287] in [0] : vector<16xf32>, vector<16xi32> -> vector<16xf32>
          %mul3A_289 = arith.constant 16 : i32
          %mul3A_290 = arith.muli %scan3A_123, %mul3A_289 : i32
          %add3A_291 = arith.constant 7 : i32
          %add3A_292 = arith.addi %mul3A_290, %add3A_291 : i32
          %get3A_293 = arith.index_cast %add3A_292 : i32 to index
          %get3A_294 = arith.constant 0 : index
          %get3A_295 = tpu.vector_load %arg8[%get3A_293, %get3A_294] {strides = array<i32>} : memref<1280x32xf32, #tpu.memory_space<vmem>>, vector<16xf32>,
          %mul3A_296 = arith.mulf %get3A_295, %gather3A_288 : vector<16xf32>
          %swap3A_297 = arith.index_cast %add3A_292 : i32 to index
          %swap3A_298 = arith.constant 0 : index
          %swap3A_299 = tpu.vector_load %arg8[%swap3A_297, %swap3A_298] {strides = array<i32>} : memref<1280x32xf32, #tpu.memory_space<vmem>>, vector<16xf32>,
          tpu.vector_store %arg8[%swap3A_297, %swap3A_298], %mul3A_296 {strides = array<i32>} : memref<1280x32xf32, #tpu.memory_space<vmem>>, vector<16xf32>,
          %get3A_300 = arith.index_cast %add3A_292 : i32 to index
          %get3A_301 = arith.constant 16 : index
          %get3A_302 = tpu.vector_load %arg8[%get3A_300, %get3A_301] {strides = array<i32>} : memref<1280x32xf32, #tpu.memory_space<vmem>>, vector<16xf32>,
          %mul3A_303 = arith.mulf %get3A_302, %gather3A_288 : vector<16xf32>
          %swap3A_304 = arith.index_cast %add3A_292 : i32 to index
          %swap3A_305 = arith.constant 16 : index
          %swap3A_306 = tpu.vector_load %arg8[%swap3A_304, %swap3A_305] {strides = array<i32>} : memref<1280x32xf32, #tpu.memory_space<vmem>>, vector<16xf32>,
          tpu.vector_store %arg8[%swap3A_304, %swap3A_305], %mul3A_303 {strides = array<i32>} : memref<1280x32xf32, #tpu.memory_space<vmem>>, vector<16xf32>,
          %broadcast_in_dim3A_307 = arith.constant 8 : i32
          %broadcast_in_dim3A_308 = vector.broadcast %broadcast_in_dim3A_307 : i32 to vector<16x1xi32>
          %gather3A_309 = vector.shape_cast %broadcast_in_dim3A_308 : vector<16x1xi32> to vector<16xi32>
          %gather3A_310 = tpu.dynamic_gather %select_n3A[%gather3A_309] in [0] : vector<16xf32>, vector<16xi32> -> vector<16xf32>
          %mul3A_311 = arith.constant 16 : i32
          %mul3A_312 = arith.muli %scan3A_123, %mul3A_311 : i32
          %add3A_313 = arith.constant 8 : i32
          %add3A_314 = arith.addi %mul3A_312, %add3A_313 : i32
          %get3A_315 = arith.index_cast %add3A_314 : i32 to index
          %get3A_316 = arith.constant 0 : index
          %get3A_317 = tpu.vector_load %arg8[%get3A_315, %get3A_316] {strides = array<i32>} : memref<1280x32xf32, #tpu.memory_space<vmem>>, vector<16xf32>,
          %mul3A_318 = arith.mulf %get3A_317, %gather3A_310 : vector<16xf32>
          %swap3A_319 = arith.index_cast %add3A_314 : i32 to index
          %swap3A_320 = arith.constant 0 : index
          %swap3A_321 = tpu.vector_load %arg8[%swap3A_319, %swap3A_320] {strides = array<i32>} : memref<1280x32xf32, #tpu.memory_space<vmem>>, vector<16xf32>,
          tpu.vector_store %arg8[%swap3A_319, %swap3A_320], %mul3A_318 {strides = array<i32>} : memref<1280x32xf32, #tpu.memory_space<vmem>>, vector<16xf32>,
          %get3A_322 = arith.index_cast %add3A_314 : i32 to index
          %get3A_323 = arith.constant 16 : index
          %get3A_324 = tpu.vector_load %arg8[%get3A_322, %get3A_323] {strides = array<i32>} : memref<1280x32xf32, #tpu.memory_space<vmem>>, vector<16xf32>,
          %mul3A_325 = arith.mulf %get3A_324, %gather3A_310 : vector<16xf32>
          %swap3A_326 = arith.index_cast %add3A_314 : i32 to index
          %swap3A_327 = arith.constant 16 : index
          %swap3A_328 = tpu.vector_load %arg8[%swap3A_326, %swap3A_327] {strides = array<i32>} : memref<1280x32xf32, #tpu.memory_space<vmem>>, vector<16xf32>,
          tpu.vector_store %arg8[%swap3A_326, %swap3A_327], %mul3A_325 {strides = array<i32>} : memref<1280x32xf32, #tpu.memory_space<vmem>>, vector<16xf32>,
          %broadcast_in_dim3A_329 = arith.constant 9 : i32
          %broadcast_in_dim3A_330 = vector.broadcast %broadcast_in_dim3A_329 : i32 to vector<16x1xi32>
          %gather3A_331 = vector.shape_cast %broadcast_in_dim3A_330 : vector<16x1xi32> to vector<16xi32>
          %gather3A_332 = tpu.dynamic_gather %select_n3A[%gather3A_331] in [0] : vector<16xf32>, vector<16xi32> -> vector<16xf32>
          %mul3A_333 = arith.constant 16 : i32
          %mul3A_334 = arith.muli %scan3A_123, %mul3A_333 : i32
          %add3A_335 = arith.constant 9 : i32
          %add3A_336 = arith.addi %mul3A_334, %add3A_335 : i32
          %get3A_337 = arith.index_cast %add3A_336 : i32 to index
          %get3A_338 = arith.constant 0 : index
          %get3A_339 = tpu.vector_load %arg8[%get3A_337, %get3A_338] {strides = array<i32>} : memref<1280x32xf32, #tpu.memory_space<vmem>>, vector<16xf32>,
          %mul3A_340 = arith.mulf %get3A_339, %gather3A_332 : vector<16xf32>
          %swap3A_341 = arith.index_cast %add3A_336 : i32 to index
          %swap3A_342 = arith.constant 0 : index
          %swap3A_343 = tpu.vector_load %arg8[%swap3A_341, %swap3A_342] {strides = array<i32>} : memref<1280x32xf32, #tpu.memory_space<vmem>>, vector<16xf32>,
          tpu.vector_store %arg8[%swap3A_341, %swap3A_342], %mul3A_340 {strides = array<i32>} : memref<1280x32xf32, #tpu.memory_space<vmem>>, vector<16xf32>,
          %get3A_344 = arith.index_cast %add3A_336 : i32 to index
          %get3A_345 = arith.constant 16 : index
          %get3A_346 = tpu.vector_load %arg8[%get3A_344, %get3A_345] {strides = array<i32>} : memref<1280x32xf32, #tpu.memory_space<vmem>>, vector<16xf32>,
          %mul3A_347 = arith.mulf %get3A_346, %gather3A_332 : vector<16xf32>
          %swap3A_348 = arith.index_cast %add3A_336 : i32 to index
          %swap3A_349 = arith.constant 16 : index
          %swap3A_350 = tpu.vector_load %arg8[%swap3A_348, %swap3A_349] {strides = array<i32>} : memref<1280x32xf32, #tpu.memory_space<vmem>>, vector<16xf32>,
          tpu.vector_store %arg8[%swap3A_348, %swap3A_349], %mul3A_347 {strides = array<i32>} : memref<1280x32xf32, #tpu.memory_space<vmem>>, vector<16xf32>,
          %broadcast_in_dim3A_351 = arith.constant 10 : i32
          %broadcast_in_dim3A_352 = vector.broadcast %broadcast_in_dim3A_351 : i32 to vector<16x1xi32>
          %gather3A_353 = vector.shape_cast %broadcast_in_dim3A_352 : vector<16x1xi32> to vector<16xi32>
          %gather3A_354 = tpu.dynamic_gather %select_n3A[%gather3A_353] in [0] : vector<16xf32>, vector<16xi32> -> vector<16xf32>
          %mul3A_355 = arith.constant 16 : i32
          %mul3A_356 = arith.muli %scan3A_123, %mul3A_355 : i32
          %add3A_357 = arith.constant 10 : i32
          %add3A_358 = arith.addi %mul3A_356, %add3A_357 : i32
          %get3A_359 = arith.index_cast %add3A_358 : i32 to index
          %get3A_360 = arith.constant 0 : index
          %get3A_361 = tpu.vector_load %arg8[%get3A_359, %get3A_360] {strides = array<i32>} : memref<1280x32xf32, #tpu.memory_space<vmem>>, vector<16xf32>,
          %mul3A_362 = arith.mulf %get3A_361, %gather3A_354 : vector<16xf32>
          %swap3A_363 = arith.index_cast %add3A_358 : i32 to index
          %swap3A_364 = arith.constant 0 : index
          %swap3A_365 = tpu.vector_load %arg8[%swap3A_363, %swap3A_364] {strides = array<i32>} : memref<1280x32xf32, #tpu.memory_space<vmem>>, vector<16xf32>,
          tpu.vector_store %arg8[%swap3A_363, %swap3A_364], %mul3A_362 {strides = array<i32>} : memref<1280x32xf32, #tpu.memory_space<vmem>>, vector<16xf32>,
          %get3A_366 = arith.index_cast %add3A_358 : i32 to index
          %get3A_367 = arith.constant 16 : index
          %get3A_368 = tpu.vector_load %arg8[%get3A_366, %get3A_367] {strides = array<i32>} : memref<1280x32xf32, #tpu.memory_space<vmem>>, vector<16xf32>,
          %mul3A_369 = arith.mulf %get3A_368, %gather3A_354 : vector<16xf32>
          %swap3A_370 = arith.index_cast %add3A_358 : i32 to index
          %swap3A_371 = arith.constant 16 : index
          %swap3A_372 = tpu.vector_load %arg8[%swap3A_370, %swap3A_371] {strides = array<i32>} : memref<1280x32xf32, #tpu.memory_space<vmem>>, vector<16xf32>,
          tpu.vector_store %arg8[%swap3A_370, %swap3A_371], %mul3A_369 {strides = array<i32>} : memref<1280x32xf32, #tpu.memory_space<vmem>>, vector<16xf32>,
          %broadcast_in_dim3A_373 = arith.constant 11 : i32
          %broadcast_in_dim3A_374 = vector.broadcast %broadcast_in_dim3A_373 : i32 to vector<16x1xi32>
          %gather3A_375 = vector.shape_cast %broadcast_in_dim3A_374 : vector<16x1xi32> to vector<16xi32>
          %gather3A_376 = tpu.dynamic_gather %select_n3A[%gather3A_375] in [0] : vector<16xf32>, vector<16xi32> -> vector<16xf32>
          %mul3A_377 = arith.constant 16 : i32
          %mul3A_378 = arith.muli %scan3A_123, %mul3A_377 : i32
          %add3A_379 = arith.constant 11 : i32
          %add3A_380 = arith.addi %mul3A_378, %add3A_379 : i32
          %get3A_381 = arith.index_cast %add3A_380 : i32 to index
          %get3A_382 = arith.constant 0 : index
          %get3A_383 = tpu.vector_load %arg8[%get3A_381, %get3A_382] {strides = array<i32>} : memref<1280x32xf32, #tpu.memory_space<vmem>>, vector<16xf32>,
          %mul3A_384 = arith.mulf %get3A_383, %gather3A_376 : vector<16xf32>
          %swap3A_385 = arith.index_cast %add3A_380 : i32 to index
          %swap3A_386 = arith.constant 0 : index
          %swap3A_387 = tpu.vector_load %arg8[%swap3A_385, %swap3A_386] {strides = array<i32>} : memref<1280x32xf32, #tpu.memory_space<vmem>>, vector<16xf32>,
          tpu.vector_store %arg8[%swap3A_385, %swap3A_386], %mul3A_384 {strides = array<i32>} : memref<1280x32xf32, #tpu.memory_space<vmem>>, vector<16xf32>,
          %get3A_388 = arith.index_cast %add3A_380 : i32 to index
          %get3A_389 = arith.constant 16 : index
          %get3A_390 = tpu.vector_load %arg8[%get3A_388, %get3A_389] {strides = array<i32>} : memref<1280x32xf32, #tpu.memory_space<vmem>>, vector<16xf32>,
          %mul3A_391 = arith.mulf %get3A_390, %gather3A_376 : vector<16xf32>
          %swap3A_392 = arith.index_cast %add3A_380 : i32 to index
          %swap3A_393 = arith.constant 16 : index
          %swap3A_394 = tpu.vector_load %arg8[%swap3A_392, %swap3A_393] {strides = array<i32>} : memref<1280x32xf32, #tpu.memory_space<vmem>>, vector<16xf32>,
          tpu.vector_store %arg8[%swap3A_392, %swap3A_393], %mul3A_391 {strides = array<i32>} : memref<1280x32xf32, #tpu.memory_space<vmem>>, vector<16xf32>,
          %broadcast_in_dim3A_395 = arith.constant 12 : i32
          %broadcast_in_dim3A_396 = vector.broadcast %broadcast_in_dim3A_395 : i32 to vector<16x1xi32>
          %gather3A_397 = vector.shape_cast %broadcast_in_dim3A_396 : vector<16x1xi32> to vector<16xi32>
          %gather3A_398 = tpu.dynamic_gather %select_n3A[%gather3A_397] in [0] : vector<16xf32>, vector<16xi32> -> vector<16xf32>
          %mul3A_399 = arith.constant 16 : i32
          %mul3A_400 = arith.muli %scan3A_123, %mul3A_399 : i32
          %add3A_401 = arith.constant 12 : i32
          %add3A_402 = arith.addi %mul3A_400, %add3A_401 : i32
          %get3A_403 = arith.index_cast %add3A_402 : i32 to index
          %get3A_404 = arith.constant 0 : index
          %get3A_405 = tpu.vector_load %arg8[%get3A_403, %get3A_404] {strides = array<i32>} : memref<1280x32xf32, #tpu.memory_space<vmem>>, vector<16xf32>,
          %mul3A_406 = arith.mulf %get3A_405, %gather3A_398 : vector<16xf32>
          %swap3A_407 = arith.index_cast %add3A_402 : i32 to index
          %swap3A_408 = arith.constant 0 : index
          %swap3A_409 = tpu.vector_load %arg8[%swap3A_407, %swap3A_408] {strides = array<i32>} : memref<1280x32xf32, #tpu.memory_space<vmem>>, vector<16xf32>,
          tpu.vector_store %arg8[%swap3A_407, %swap3A_408], %mul3A_406 {strides = array<i32>} : memref<1280x32xf32, #tpu.memory_space<vmem>>, vector<16xf32>,
          %get3A_410 = arith.index_cast %add3A_402 : i32 to index
          %get3A_411 = arith.constant 16 : index
          %get3A_412 = tpu.vector_load %arg8[%get3A_410, %get3A_411] {strides = array<i32>} : memref<1280x32xf32, #tpu.memory_space<vmem>>, vector<16xf32>,
          %mul3A_413 = arith.mulf %get3A_412, %gather3A_398 : vector<16xf32>
          %swap3A_414 = arith.index_cast %add3A_402 : i32 to index
          %swap3A_415 = arith.constant 16 : index
          %swap3A_416 = tpu.vector_load %arg8[%swap3A_414, %swap3A_415] {strides = array<i32>} : memref<1280x32xf32, #tpu.memory_space<vmem>>, vector<16xf32>,
          tpu.vector_store %arg8[%swap3A_414, %swap3A_415], %mul3A_413 {strides = array<i32>} : memref<1280x32xf32, #tpu.memory_space<vmem>>, vector<16xf32>,
          %broadcast_in_dim3A_417 = arith.constant 13 : i32
          %broadcast_in_dim3A_418 = vector.broadcast %broadcast_in_dim3A_417 : i32 to vector<16x1xi32>
          %gather3A_419 = vector.shape_cast %broadcast_in_dim3A_418 : vector<16x1xi32> to vector<16xi32>
          %gather3A_420 = tpu.dynamic_gather %select_n3A[%gather3A_419] in [0] : vector<16xf32>, vector<16xi32> -> vector<16xf32>
          %mul3A_421 = arith.constant 16 : i32
          %mul3A_422 = arith.muli %scan3A_123, %mul3A_421 : i32
          %add3A_423 = arith.constant 13 : i32
          %add3A_424 = arith.addi %mul3A_422, %add3A_423 : i32
          %get3A_425 = arith.index_cast %add3A_424 : i32 to index
          %get3A_426 = arith.constant 0 : index
          %get3A_427 = tpu.vector_load %arg8[%get3A_425, %get3A_426] {strides = array<i32>} : memref<1280x32xf32, #tpu.memory_space<vmem>>, vector<16xf32>,
          %mul3A_428 = arith.mulf %get3A_427, %gather3A_420 : vector<16xf32>
          %swap3A_429 = arith.index_cast %add3A_424 : i32 to index
          %swap3A_430 = arith.constant 0 : index
          %swap3A_431 = tpu.vector_load %arg8[%swap3A_429, %swap3A_430] {strides = array<i32>} : memref<1280x32xf32, #tpu.memory_space<vmem>>, vector<16xf32>,
          tpu.vector_store %arg8[%swap3A_429, %swap3A_430], %mul3A_428 {strides = array<i32>} : memref<1280x32xf32, #tpu.memory_space<vmem>>, vector<16xf32>,
          %get3A_432 = arith.index_cast %add3A_424 : i32 to index
          %get3A_433 = arith.constant 16 : index
          %get3A_434 = tpu.vector_load %arg8[%get3A_432, %get3A_433] {strides = array<i32>} : memref<1280x32xf32, #tpu.memory_space<vmem>>, vector<16xf32>,
          %mul3A_435 = arith.mulf %get3A_434, %gather3A_420 : vector<16xf32>
          %swap3A_436 = arith.index_cast %add3A_424 : i32 to index
          %swap3A_437 = arith.constant 16 : index
          %swap3A_438 = tpu.vector_load %arg8[%swap3A_436, %swap3A_437] {strides = array<i32>} : memref<1280x32xf32, #tpu.memory_space<vmem>>, vector<16xf32>,
          tpu.vector_store %arg8[%swap3A_436, %swap3A_437], %mul3A_435 {strides = array<i32>} : memref<1280x32xf32, #tpu.memory_space<vmem>>, vector<16xf32>,
          %broadcast_in_dim3A_439 = arith.constant 14 : i32
          %broadcast_in_dim3A_440 = vector.broadcast %broadcast_in_dim3A_439 : i32 to vector<16x1xi32>
          %gather3A_441 = vector.shape_cast %broadcast_in_dim3A_440 : vector<16x1xi32> to vector<16xi32>
          %gather3A_442 = tpu.dynamic_gather %select_n3A[%gather3A_441] in [0] : vector<16xf32>, vector<16xi32> -> vector<16xf32>
          %mul3A_443 = arith.constant 16 : i32
          %mul3A_444 = arith.muli %scan3A_123, %mul3A_443 : i32
          %add3A_445 = arith.constant 14 : i32
          %add3A_446 = arith.addi %mul3A_444, %add3A_445 : i32
          %get3A_447 = arith.index_cast %add3A_446 : i32 to index
          %get3A_448 = arith.constant 0 : index
          %get3A_449 = tpu.vector_load %arg8[%get3A_447, %get3A_448] {strides = array<i32>} : memref<1280x32xf32, #tpu.memory_space<vmem>>, vector<16xf32>,
          %mul3A_450 = arith.mulf %get3A_449, %gather3A_442 : vector<16xf32>
          %swap3A_451 = arith.index_cast %add3A_446 : i32 to index
          %swap3A_452 = arith.constant 0 : index
          %swap3A_453 = tpu.vector_load %arg8[%swap3A_451, %swap3A_452] {strides = array<i32>} : memref<1280x32xf32, #tpu.memory_space<vmem>>, vector<16xf32>,
          tpu.vector_store %arg8[%swap3A_451, %swap3A_452], %mul3A_450 {strides = array<i32>} : memref<1280x32xf32, #tpu.memory_space<vmem>>, vector<16xf32>,
          %get3A_454 = arith.index_cast %add3A_446 : i32 to index
          %get3A_455 = arith.constant 16 : index
          %get3A_456 = tpu.vector_load %arg8[%get3A_454, %get3A_455] {strides = array<i32>} : memref<1280x32xf32, #tpu.memory_space<vmem>>, vector<16xf32>,
          %mul3A_457 = arith.mulf %get3A_456, %gather3A_442 : vector<16xf32>
          %swap3A_458 = arith.index_cast %add3A_446 : i32 to index
          %swap3A_459 = arith.constant 16 : index
          %swap3A_460 = tpu.vector_load %arg8[%swap3A_458, %swap3A_459] {strides = array<i32>} : memref<1280x32xf32, #tpu.memory_space<vmem>>, vector<16xf32>,
          tpu.vector_store %arg8[%swap3A_458, %swap3A_459], %mul3A_457 {strides = array<i32>} : memref<1280x32xf32, #tpu.memory_space<vmem>>, vector<16xf32>,
          %broadcast_in_dim3A_461 = arith.constant 15 : i32
          %broadcast_in_dim3A_462 = vector.broadcast %broadcast_in_dim3A_461 : i32 to vector<16x1xi32>
          %gather3A_463 = vector.shape_cast %broadcast_in_dim3A_462 : vector<16x1xi32> to vector<16xi32>
          %gather3A_464 = tpu.dynamic_gather %select_n3A[%gather3A_463] in [0] : vector<16xf32>, vector<16xi32> -> vector<16xf32>
          %mul3A_465 = arith.constant 16 : i32
          %mul3A_466 = arith.muli %scan3A_123, %mul3A_465 : i32
          %add3A_467 = arith.constant 15 : i32
          %add3A_468 = arith.addi %mul3A_466, %add3A_467 : i32
          %get3A_469 = arith.index_cast %add3A_468 : i32 to index
          %get3A_470 = arith.constant 0 : index
          %get3A_471 = tpu.vector_load %arg8[%get3A_469, %get3A_470] {strides = array<i32>} : memref<1280x32xf32, #tpu.memory_space<vmem>>, vector<16xf32>,
          %mul3A_472 = arith.mulf %get3A_471, %gather3A_464 : vector<16xf32>
          %swap3A_473 = arith.index_cast %add3A_468 : i32 to index
          %swap3A_474 = arith.constant 0 : index
          %swap3A_475 = tpu.vector_load %arg8[%swap3A_473, %swap3A_474] {strides = array<i32>} : memref<1280x32xf32, #tpu.memory_space<vmem>>, vector<16xf32>,
          tpu.vector_store %arg8[%swap3A_473, %swap3A_474], %mul3A_472 {strides = array<i32>} : memref<1280x32xf32, #tpu.memory_space<vmem>>, vector<16xf32>,
          %get3A_476 = arith.index_cast %add3A_468 : i32 to index
          %get3A_477 = arith.constant 16 : index
          %get3A_478 = tpu.vector_load %arg8[%get3A_476, %get3A_477] {strides = array<i32>} : memref<1280x32xf32, #tpu.memory_space<vmem>>, vector<16xf32>,
          %mul3A_479 = arith.mulf %get3A_478, %gather3A_464 : vector<16xf32>
          %swap3A_480 = arith.index_cast %add3A_468 : i32 to index
          %swap3A_481 = arith.constant 16 : index
          %swap3A_482 = tpu.vector_load %arg8[%swap3A_480, %swap3A_481] {strides = array<i32>} : memref<1280x32xf32, #tpu.memory_space<vmem>>, vector<16xf32>,
          tpu.vector_store %arg8[%swap3A_480, %swap3A_481], %mul3A_479 {strides = array<i32>} : memref<1280x32xf32, #tpu.memory_space<vmem>>, vector<16xf32>,
        }
        %scan3A_122 = arith.constant 80 : i32
      } else {
      }
      %mul3A_109 = arith.constant 1280 : i32
      %mul3A_110 = arith.muli %add3A_70, %mul3A_109 : i32
      %add3A_111 = arith.addi %multiple_of3A, %mul3A_110 : i32
      %multiple_of3A_112 = tpu.assume_multiple %add3A_111, 8 : i32
      %dma_start3A_113 = arith.constant 0 : i32
      %dma_start3A_114 = tpu.memref_slice %arg4[%multiple_of3A_112, %dma_start3A_113] : memref<819200x128xf32, #tpu.memory_space<hbm>> -> memref<1280x32xf32, #tpu.memory_space<hbm>>
      %dma_start3A_115 = arith.constant 0 : i32
      %dma_start3A_116 = tpu.memref_slice %arg4[%multiple_of3A_112, %dma_start3A_115] : memref<819200x128xf32, #tpu.memory_space<hbm>> -> memref<1280x32xf32, #tpu.memory_space<hbm>>
      tpu.enqueue_dma source(%arg8 : memref<1280x32xf32, #tpu.memory_space<vmem>>) target(%dma_start3A_116 : memref<1280x32xf32, #tpu.memory_space<hbm>>) target_semaphore(%arg12 : memref<!tpu.dma_semaphore, #tpu.memory_space<semaphore_mem>>)
    }
    %scan3A_12 = arith.constant 10 : i32
    %add3A_13 = arith.constant 23040 : i32
    %add3A_14 = arith.addi %multiple_of3A, %add3A_13 : i32
    %multiple_of3A_15 = tpu.assume_multiple %add3A_14, 8 : i32
    %dma_wait3A = arith.constant 0 : i32
    %dma_wait3A_16 = tpu.memref_slice %arg4[%multiple_of3A_15, %dma_wait3A] : memref<819200x128xf32, #tpu.memory_space<hbm>> -> memref<1280x32xf32, #tpu.memory_space<hbm>>
    %dma_wait3A_17 = arith.constant 0 : i32
    %dma_wait3A_18 = tpu.memref_slice %arg4[%multiple_of3A_15, %dma_wait3A_17] : memref<819200x128xf32, #tpu.memory_space<hbm>> -> memref<1280x32xf32, #tpu.memory_space<hbm>>
    tpu.wait_dma2 semaphore(%arg11 : memref<!tpu.dma_semaphore, #tpu.memory_space<semaphore_mem>>) src(%arg7 : memref<1280x32xf32, #tpu.memory_space<vmem>>) dst(%dma_wait3A_18 : memref<1280x32xf32, #tpu.memory_space<hbm>>)
    %add3A_19 = arith.constant 24320 : i32
    %add3A_20 = arith.addi %multiple_of3A, %add3A_19 : i32
    %multiple_of3A_21 = tpu.assume_multiple %add3A_20, 8 : i32
    %dma_wait3A_22 = arith.constant 0 : i32
    %dma_wait3A_23 = tpu.memref_slice %arg4[%multiple_of3A_21, %dma_wait3A_22] : memref<819200x128xf32, #tpu.memory_space<hbm>> -> memref<1280x32xf32, #tpu.memory_space<hbm>>
    %dma_wait3A_24 = arith.constant 0 : i32
    %dma_wait3A_25 = tpu.memref_slice %arg4[%multiple_of3A_21, %dma_wait3A_24] : memref<819200x128xf32, #tpu.memory_space<hbm>> -> memref<1280x32xf32, #tpu.memory_space<hbm>>
    tpu.wait_dma2 semaphore(%arg12 : memref<!tpu.dma_semaphore, #tpu.memory_space<semaphore_mem>>) src(%arg8 : memref<1280x32xf32, #tpu.memory_space<vmem>>) dst(%dma_wait3A_25 : memref<1280x32xf32, #tpu.memory_space<hbm>>)
    return
  }
}

</mosaic_0001>

<sc_bundles>
// kernel: kernel.3.cloned.1.call-start
scs
__scs_entry_jumppad:
0x0: {  	(pc) =	sbr.rel $0x88, $3  }
0x1: {  	(tag) =	ssettag $0x0;
	lr =	simm.s32 $0x1  }
0x2: {  	[smem:$0x3F9F] =	sst lr;
	_ =	strace $0xD0000000  }
0x3: {  	_ = 	snop  }
0x4: {  	_ = 	snop  }
0x5: {  	_ = 	snop  }
0x6: {  	_ = 	snop  }
0x7: {  	_ = 	snop  }
__scs_overlays_trampoline_lowered:
0x8: {  	[smem:$0x3FAE] =	sst s0  }
0x9: {  	[smem:$0x3FAF] =	sst s1  }
0xa: {  	[smem:$0x3FB0] =	sst s2  }
0xb: {  	[smem:$0x3FB1] =	sst s3  }
0xc: {  	[smem:$0x3FB2] =	sst s4  }
0xd: {  	[smem:$0x3FB3] =	sst s5  }
0xe: {  	[smem:$0x3FB4] =	sst s6  }
0xf: {  	[smem:$0x3FB5] =	sst s7  }
0x10: {  	[smem:$0x3FB6] =	sst s8  }
0x11: {  	[smem:$0x3FB7] =	sst s9;
	s0 =	simm.s32 @!p0 $0x0  }
0x12: {  	s1 =	sld [smem:$0x3F9D];
	s0 =	simm.s32 @p0 $0x1  }
0x13: {  	[smem:$0x3FB8] =	sst s0;
	s0 =	simm.s32 @!p1 $0x0  }
0x14: {  	s2 =	sld [smem:$0x3F9C];
	s0 =	simm.s32 @p1 $0x1  }
0x15: {  	[smem:$0x3FB9] =	sst s0;
	s0 =	simm.s32 @!p2 $0x0  }
0x16: {  	s3 =	sld [smem:$0x3FDB];
	s0 =	simm.s32 @p2 $0x1  }
0x17: {  	s4 =	simm.s32 $0x1BF5;
	[smem:$0x3FBB] =	sst s0  }
0x18: {  	s0 =	sld [smem:$0x3F9E];
	_ =	swait.ge [sflag:s4], $0x0  }
0x19: {  	s7 =	sld [smem:$0x3F9F]  }
0x1a: {  	s8 =	sadd.s32 $0xFFFFE003, lr  }
0x1b: {  	s9 =	sadd.s32 $0xFFFFFEF7, lr;
	s5 =	simm.s32 $0xFFFFFFFF;
	p2 =	slt.u32 s8, $0xFFFFF086  }
0x1c: {  	p1 =	slt.u32 s9, $0xF7A;
	s5 =	simm.s32 @!p2 $0x0  }
0x1d: {  	s5 =	simm.s32 @p1 $0x1;
	p0 =	seq.s32 s7, s2  }
0x1e: {  	s7 =	smul.u32 @!p0 $0xF7A, s2;
	p2 =	seq.s32 @!p0 s5, $0x0  }
0x1f: {  	s9 =	smul.u32 $0xF7A, s1;
	s8 =	simm.s32 @!p0 $0x1BF5;
	p2 =	por !p2, p0  }
0x20: {  	[sflag:s8] =	ssyncset.s32 @!p0 $0xFFFFF086;
	s6 =	sadd.s32 @!p0 s3, s7;
	s7 =	simm.s32 @!p0 $0x108  }
0x21: {  	s3 =	sadd.s32 s3, s9;
	s6 =	sadd.s32 @!p0 $0x88, s6;
	s7 =	simm.s32 @p2 $0x1082  }
0x22: {  	[simem:s7], [sflag:s8] =	dma.local @!p0 [hbm:s6], $0xF7A  }
0x23: {  	s9 =	sor.u32 $0xD0000000, s2;
	s6 =	simm.s32 $0x108;
	_ =	swait.ge @!p0 [sflag:s8], $0x0  }
0x24: {  	s3 =	sadd.s32 $0x88, s3;
	s6 =	simm.s32 @!p1 $0x1082;
	[sflag:s4] =	ssyncset.s32 $0xFFFFF086  }
0x25: {  	[simem:s6], [sflag:s4] =	dma.local [hbm:s3], $0xF7A  }
0x26: {  	[smem:$0x3F9F] =	sst s1;
	(tag) =	ssettag s2;
	_ =	strace s9  }
0x27: {  	s1 =	sld [smem:$0x3FAF]  }
0x28: {  	s2 =	sld [smem:$0x3FB0]  }
0x29: {  	s4 =	sld [smem:$0x3FB2]  }
0x2a: {  	p0 =	seq.s32 s5, $0x0;
	s5 =	sld [smem:$0x3FB3]  }
0x2b: {  	s6 =	sld [smem:$0x3FB4]  }
0x2c: {  	s7 =	sld [smem:$0x3FB5]  }
0x2d: {  	s3 =	simm.s32 $0x108;
	s8 =	sld [smem:$0x3FB6]  }
0x2e: {  	s3 =	simm.s32 @!p0 $0x1082;
	s9 =	sld [smem:$0x3FB7]  }
0x2f: {  	lr =	sadd.s32 s0, s3;
	s0 =	sld [smem:$0x3FAE]  }
0x30: {  	s3 =	sld [smem:$0x3FB1]  }
0x31: {  	[smem:$0x3FBA] =	sst s10  }
0x32: {  	s10 =	sld [smem:$0x3FB8];
	_ =	sdelay $0x3  }
0x33: {  	p0 =	seq.s32 s10, $0x1;
	s10 =	sld [smem:$0x3FBA];
	_ =	sdelay $0x3  }
0x34: {  	[smem:$0x3FBA] =	sst s10  }
0x35: {  	s10 =	sld [smem:$0x3FB9];
	_ =	sdelay $0x3  }
0x36: {  	p1 =	seq.s32 s10, $0x1;
	s10 =	sld [smem:$0x3FBA];
	_ =	sdelay $0x3  }
0x37: {  	[smem:$0x3FBA] =	sst s10  }
0x38: {  	s10 =	sld [smem:$0x3FBB]  }
0x39: {  	_ = 	snop;
	(pc) =	sbr.ind lr, $3  }
0x3a: {  	_ = 	snop  }
0x3b: {  	_ = 	snop  }
0x3c: {  	p2 =	seq.s32 s10, $0x1;
	s10 =	sld [smem:$0x3FBA]  }
0x3d: {  	_ =	shalt  }
0x3e: {  	_ =	shalt  }
0x3f: {  	_ =	shalt  }
0x40: {  	_ =	shalt  }
0x41: {  	_ =	shalt  }
0x42: {  	_ =	shalt  }
0x43: {  	_ =	shalt  }
0x44: {  	_ =	shalt  }
0x45: {  	_ =	shalt  }
0x46: {  	_ =	shalt  }
0x47: {  	_ =	shalt  }
0x48: {  	_ =	shalt  }
0x49: {  	_ =	shalt  }
0x4a: {  	_ =	shalt  }
0x4b: {  	_ =	shalt  }
0x4c: {  	_ =	shalt  }
0x4d: {  	_ =	shalt  }
0x4e: {  	_ =	shalt  }
0x4f: {  	_ =	shalt  }
0x50: {  	_ =	shalt  }
0x51: {  	_ =	shalt  }
0x52: {  	_ =	shalt  }
0x53: {  	_ =	shalt  }
0x54: {  	_ =	shalt  }
0x55: {  	_ =	shalt  }
0x56: {  	_ =	shalt  }
0x57: {  	_ =	shalt  }
0x58: {  	_ =	shalt  }
0x59: {  	_ =	shalt  }
0x5a: {  	_ =	shalt  }
0x5b: {  	_ =	shalt  }
0x5c: {  	_ =	shalt  }
0x5d: {  	_ =	shalt  }
0x5e: {  	_ =	shalt  }
0x5f: {  	_ =	shalt  }
0x60: {  	_ =	shalt  }
0x61: {  	_ =	shalt  }
0x62: {  	_ =	shalt  }
0x63: {  	_ =	shalt  }
0x64: {  	_ =	shalt  }
0x65: {  	_ =	shalt  }
0x66: {  	_ =	shalt  }
0x67: {  	_ =	shalt  }
0x68: {  	_ =	shalt  }
0x69: {  	_ =	shalt  }
0x6a: {  	_ =	shalt  }
0x6b: {  	_ =	shalt  }
0x6c: {  	_ =	shalt  }
0x6d: {  	_ =	shalt  }
0x6e: {  	_ =	shalt  }
0x6f: {  	_ =	shalt  }
0x70: {  	_ =	shalt  }
0x71: {  	_ =	shalt  }
0x72: {  	_ =	shalt  }
0x73: {  	_ =	shalt  }
0x74: {  	_ =	shalt  }
0x75: {  	_ =	shalt  }
0x76: {  	_ =	shalt  }
0x77: {  	_ =	shalt  }
0x78: {  	_ =	shalt  }
0x79: {  	_ =	shalt  }
0x7a: {  	_ =	shalt  }
0x7b: {  	_ =	shalt  }
0x7c: {  	_ =	shalt  }
0x7d: {  	_ =	shalt  }
0x7e: {  	_ =	shalt  }
0x7f: {  	_ =	shalt  }
0x80: {  	_ =	shalt  }
0x81: {  	_ =	shalt  }
0x82: {  	_ =	shalt  }
0x83: {  	_ =	shalt  }
0x84: {  	_ =	shalt  }
0x85: {  	_ =	shalt  }
0x86: {  	_ =	shalt  }
0x87: {  	_ =	shalt  }
.Lfunc_end0:
.L_simem_size_0:
called_computation.1_lowered:
.L_overlay_start_0:
0x88: {  	s2 =	sld [smem:$0x3FD9]  }
0x89: {  	s3 =	sld [smem:$0x3FFE];
	_ =	sdelay $0x1  }
0x8a: {  	s1 =	srdreg.scid  }
0x8b: {  	s0 =	sand.u32 $0x1, s1  }
0x8c: {  	s17 =	sshll.u32 s0, $0xA;
	s2 =	sadd.s32 s3, s2  }
0x8d: {  	s2 =	sadd.s32 s2, s17  }
0x8e: {  	[smem:$0x3FC6] =	sst s2  }
0x8f: {  	_ = 	snop  }
0x90: {  	s2 =	sld [smem:$0x3FD0];
	(tm) =	ssettm $0x1  }
0x91: {  	s18 =	sld [smem:$0x3FFB];
	_ =	sdelay $0x3  }
0x92: {  	_ =	strace s18  }
0x93: {  	s3 =	sld [smem:$0x3FFC];
	_ =	sdelay $0x3  }
0x94: {  	_ =	strace s3  }
0x95: {  	s3 =	sld [smem:$0x3FFD];
	_ =	sdelay $0x3  }
0x96: {  	_ =	strace s3  }
0x97: {  	_ =	strace $0x8FFFFFFF  }
0x98: {  	s19 =	sld [smem:$0x3FDB];
	_ =	sdelay $0x1  }
0x99: {  	s4 =	simm.s32 $_scs_section_size  }
0x9a: {  	s5 =	simm.s32 $_size__tile_overlayer_lowered;
	s6 =	simm.s32 $_tile_overlayer_lowered  }
0x9b: {  	s22 =	simm.s32 $0x1BFF;
	s21 =	sshll.u32 s6, $0x1;
	s3 =	sadd.s32 s4, s19  }
0x9c: {  	s7 =	simm.s32 $0x0;
	s20 =	sshll.u32 s5, $0x1;
	s5 =	sadd.s32 s21, s3  }
0x9d: {  	[timem:s7], [sflag:s22] =	dma.local [hbm:s5], s20  }
0x9e: {  	_ =	swait.ge [sflag:s22], s20  }
0x9f: {  	s4 =	ssub.s32 $0x0, s20;
	[sflag:s22] =	ssyncset.done $0x0  }
0xa0: {  	[sflag:s22] =	ssyncadd.s32 s4;
	_ =	sdelay $0x1  }
0xa1: {  	s23 =	simm.s32 $0x1B8B  }
0xa2: {  	_ =	swait.ge [sflag:s23], $0x1  }
0xa3: {  	[sflag:s23] =	ssyncset.done $0x0  }
0xa4: {  	s25 =	simm.s32 $0x1B8E;
	s24 =	sld [smem:$0x3FFE];
	[sflag:s23] =	ssyncadd.s32 $0xFFFFFFFF  }
0xa5: {  	s26 =	simm.s32 $execute0_lowered;
	[smem:$0x3FD2] =	sst s25  }
0xa6: {  	s5 =	sshll.u32 s26, $0x1;
	_ =	strace $0x80000046;
	[dreg:$0x1] =	wrdreg $0xFFFFFFFF  }
0xa7: {  	s28 =	simm.s32 $_size_execute0_lowered;
	s3 =	sadd.s32 s3, s5;
	[dreg:$0x0] =	wrdreg $0x0  }
0xa8: {  	s5 =	sshll.u32 s28, $0x1;
	[dreg:$0x2] =	wrdreg s3  }
0xa9: {  	[dreg:$0x3] =	wrdreg s5  }
0xaa: {  	[dreg:$0x4] =	wrdreg $0xC0  }
0xab: {  	_ =	task [dreg:s7], $0x5FFFF  }
0xac: {  	[dreg:$0x1] =	wrdreg $0xFFFFFFFF  }
0xad: {  	[dreg:$0x0] =	wrdreg $0x60  }
0xae: {  	[dreg:$0x2] =	wrdreg s2  }
0xaf: {  	[dreg:$0x3] =	wrdreg s24  }
0xb0: {  	[dreg:$0x4] =	wrdreg $0x9  }
0xb1: {  	_ =	task.clear_ibuf [dreg:s7], $0x5FFFF;
	_ =	strace $0x90000046  }
0xb2: {  	s29 =	simm.s32 $0x9;
	_ =	strace $0x80000048  }
0xb3: {  	_ =	swait.ge [sflag:s29], $0x1  }
0xb4: {  	[sflag:s29] =	ssyncadd.s32 $0xFFFFFFFF  }
0xb5: {  	_ =	strace $0x90000048  }
0xb6: {  	_ =	sfence  }
0xb7: {  	s30 =	sld [smem:$0x0];
	_ =	sdelay $0x2  }
0xb8: {  	s31 =	sshll.u32 s1, $0xD;
	s1 =	sshrl.u32 s1, $0x2  }
0xb9: {  	s3 =	sand.u32 $0x4000, s31;
	s1 =	sadd.s32 s1, s30  }
0xba: {  	s0 =	sor.u32 s3, s0;
	s1 =	sshll.u32 s1, $0x11  }
0xbb: {  	s0 =	sor.u32 s1, s0  }
0xbc: {  	s0 =	sadd.s32 $0x8F2B, s0  }
0xbd: {  	[sflag:s0] =	ssyncadd.remote.s32 $0x1  }
0xbe: {  	_ =	sfence.sel $0xFFFF  }
0xbf: {  	[dreg:$0x0] =	wrdreg $0xFFFFFFFF;
	(pc) =	sbr.abs _section_cstart, $3  }
0xc0: {  	[dreg:$0x1] =	wrdreg $0xFFFFFFFF  }
0xc1: {  	_ =	task.clear_ibuf [dreg:s7], $0x2FFFF;
	_ =	strace $0x9FFFFFFF  }
0xc2: {  	(tm) =	ssettm $0x7FFFFFFF  }
0xc3: {  	_ =	shalt  }
tec
execute0_lowered:
.L_overlay_start_1:
0x0: {  	(tag) =	ssettag $0x1  }
0x1: {  	s2 =	rddreg [dreg:$0x0];
	s1 =	srdreg.scid  }
0x2: {  	s0 =	stileid.u32;
	s6 =	rddreg [dreg:$0x1]  }
0x3: {  	s3 =	simm.s32 $0x0;
	s11 =	simm.s32 $0x5;
	s12 =	simm.s32 $0x500  }
0x4: {  	s13 =	simm.s32 $0xA00;
	s14 =	simm.s32 $0xAA00;
	s15 =	simm.s32 $0x1  }
0x5: {  	s16 =	simm.s32 $0x20;
	s17 =	simm.s32 $0x80;
	s18 =	simm.s32 $0x2  }
0x6: {  	s19 =	simm.s32 $0x3;
	s20 =	simm.s32 $0x4;
	s21 =	simm.s32 $0x0  }
0x7: {  	v0 =	vimm.s32 $0x0;
	v1 =	vimm.f32 $1.000000000e+00;
	s4 =	sand.u32 $0x1, s1;
	s5 =	sshll.u32 s0, $0x1;
	s1 =	rddreg [dreg:$0x2]  }
.Ltmp0:
0x8: {  	v2 =	vimm.s32 $0x1;
	v3 =	vimm.s32 $0x2;
	v4 =	vimm.s32 $0x3;
	[smem:$0x7FF] =	sst s3;
	s5 =	sor.u32 s4, s5;
	(pc) =	sbr.rel .LBB2_1-.Ltmp0, $4  }
0x9: {  	v5 =	vimm.s32 $0x4;
	v6 =	vimm.s32 $0x5;
	v7 =	vimm.s32 $0x6;
	s7 =	ssub.s32 $0x2, s4;
	_ =	strace $0x80000047;
	s4 =	smul.u32 $0x6400, s5  }
0xa: {  	v8 =	vimm.s32 $0x7;
	v9 =	vimm.s32 $0x8;
	v10 =	vimm.s32 $0x9;
	s5 =	sadd.s32 $0xF43000, s6;
	s8 =	sshrl.u32 s7, $0x1;
	s6 =	sadd.s32 $0xA00, s6  }
0xb: {  	v11 =	vimm.s32 $0xA;
	v12 =	vimm.s32 $0xB;
	v13 =	vimm.s32 $0xC;
	s10 =	ssub.s32 s7, s8;
	s31 =	sshrl.u32 s4, $0x3;
	s8 =	sadd.s32 $0x500, s4  }
0xc: {  	v14 =	vimm.s32 $0xD;
	v15 =	vimm.s32 $0xE;
	v16 =	vimm.s32 $0xF;
	s9 =	sadd.s32 $0xA00, s4;
	s10 =	smax.u32 s10, $0x1;
	s7 =	sadd.s32 s2, s31  }
.LBB2_15:
0xd: {  	s21 =	sadd.s32 $0x1, s21  }
0xe: {  	_ =	swait.ge [sflag:s19], $0xA000;
	p0 =	sne.s32 s21, s10  }
.Ltmp1:
0xf: {  	[sflag:s19] =	ssyncset.done $0x0;
	(pc) =	sbr.rel @!p0 .LBB2_16-.Ltmp1, $4  }
0x10: {  	[sflag:s19] =	ssyncadd.s32 $0xFFFF6000  }
0x11: {  	_ =	swait.ge [sflag:s20], $0xA000  }
0x12: {  	[sflag:s20] =	ssyncset.done $0x0  }
0x13: {  	[sflag:s20] =	ssyncadd.s32 $0xFFFF6000  }
.LBB2_1:
0x14: {  	[tilespmem:s3], [sflag:$0x5] =	stream.linear.gather [hbm4b:s7+s3], $0x500, $0x38;
	[tilespmem:$0x14A00] =	vst v63  }
.Ltmp2:
0x15: {  	_ = 	snop;
	(pc) =	sbr.rel .LBB2_2-.Ltmp2, $4  }
0x16: {  	_ =	swait.ge [sflag:s11], $0x500  }
0x17: {  	[sflag:s11] =	ssyncset.done $0x0  }
0x18: {  	s22 =	simm.s32 $0x0;
	[sflag:s11] =	ssyncadd.s32 $0xFFFFFB00  }
0x19: {  	[tilespmem:s13], [sflag:$0x1] =	stream.indirect.gather [hbm4b:s5+s12], $0x20, s3, s12, $0xb8;
	[tilespmem:$0x14A00] =	vst v63  }
.LBB2_14:
0x1a: {  	p0 =	sne.s32 s22, $0xA  }
.Ltmp3:
0x1b: {  	_ = 	snop;
	(pc) =	sbr.rel @!p0 .LBB2_15-.Ltmp3, $2  }
0x1c: {  	_ =	sdelay $0x2  }
0x1d: {  	[hbm4b:s23+s16] =	stream.strided.scatter [tilespmem:s14], [sflag:$0x4], $0xA000, s17, s16, $0x38;
	[tilespmem:$0x14A00] =	vst v63  }
.LBB2_2:
0x1e: {  	p0 =	seq.s32 s22, $0x0;
	s24 =	smul.u32 $0xA00, s22  }
0x1f: {  	s25 =	simm.s32 @!p0 $0x4  }
0x20: {  	_ =	swait.ge @!p0 [sflag:s25], $0xA000;
	s23 =	sadd.s32 s24, s8  }
0x21: {  	[sflag:s25] =	ssyncset.done @!p0 $0x0;
	s26 =	sshrl.u32 s23, $0x3  }
0x22: {  	[sflag:s25] =	ssyncadd.s32 @!p0 $0xFFFF6000;
	s30 =	sadd.s32 s2, s26  }
0x23: {  	[tilespmem:s12], [sflag:$0x5] =	stream.linear.gather [hbm4b:s30+s3], $0x500, $0x38;
	[tilespmem:$0x14A00] =	vst v63  }
0x24: {  	_ =	swait.ge [sflag:s11], $0x500  }
0x25: {  	[sflag:s11] =	ssyncset.done $0x0  }
0x26: {  	[sflag:s11] =	ssyncadd.s32 $0xFFFFFB00  }
0x27: {  	[tilespmem:s14], [sflag:$0x2] =	stream.indirect.gather [hbm4b:s5+s12], $0x20, s12, s12, $0xb8;
	[tilespmem:$0x14A00] =	vst v63  }
0x28: {  	_ =	swait.ge [sflag:s15], $0xA000  }
0x29: {  	[sflag:s15] =	ssyncset.done $0x0  }
0x2a: {  	s28 =	simm.s32 $0x40;
	[sflag:s15] =	ssyncadd.s32 $0xFFFF6000  }
0x2b: {  	v17 =	vld [tilespmem:s28+$0xFFFFFFC0];
	_ =	sdelay $0x1  }
0x2c: {  	v18 =	vld [tilespmem:s28+$0xFFFFFFD0];
	_ =	sdelay $0x1  }
0x2d: {  	v19 =	vimm.s32 $0x1;
	v20 =	vld [tilespmem:s28+$0xFFFFFFE0]  }
0x2e: {  	vm0 =	vlt.s32 v19, v17  }
0x2f: {  	v17 =	vsel vm0, v19, v17;
	v19 =	vld [tilespmem:s28+$0xFFFFFFF0]  }
0x30: {  	vm0 =	vlt.s32 v17, v18  }
0x31: {  	v21 =	vld [tilespmem:s28+$0x0];
	v17 =	vsel vm0, v17, v18  }
0x32: {  	vm0 =	vlt.s32 v17, v20  }
0x33: {  	v18 =	vsel vm0, v17, v20;
	v17 =	vld [tilespmem:s28+$0x10]  }
0x34: {  	vm0 =	vlt.s32 v18, v19  }
0x35: {  	v19 =	vsel vm0, v18, v19;
	v18 =	vld [tilespmem:s28+$0x20]  }
0x36: {  	s31 =	sadd.s32 s4, s24;
	vm0 =	vlt.s32 v19, v21  }
0x37: {  	s25 =	sshll.u32 s31, $0x4;
	v20 =	vsel vm0, v19, v21;
	v19 =	vld [tilespmem:s28+$0x30]  }
0x38: {  	s26 =	simm.s32 $0x0;
	s25 =	sadd.s32 s6, s25;
	s28 =	simm.s32 $0xC0;
	vm0 =	vlt.s32 v20, v17  }
.LBB2_3:
0x39: {  	v21 =	vld [tilespmem:s28+$0xFFFFFFC0];
	s26 =	sadd.s32 $0x8, s26;
	v17 =	vsel vm0, v20, v17  }
0x3a: {  	p0 =	slt.u32 s26, $0x48;
	vm0 =	vlt.s32 v17, v18  }
0x3b: {  	v20 =	vld [tilespmem:s28+$0xFFFFFFD0];
	v17 =	vsel vm0, v17, v18  }
0x3c: {  	vm0 =	vlt.s32 v17, v19  }
0x3d: {  	v18 =	vld [tilespmem:s28+$0xFFFFFFE0];
	v17 =	vsel vm0, v17, v19  }
0x3e: {  	vm0 =	vlt.s32 v17, v21  }
0x3f: {  	v17 =	vsel vm0, v17, v21;
	v19 =	vld [tilespmem:s28+$0xFFFFFFF0]  }
0x40: {  	vm0 =	vlt.s32 v17, v20  }
0x41: {  	v17 =	vsel vm0, v17, v20;
	v20 =	vld [tilespmem:s28+$0x0]  }
0x42: {  	vm0 =	vlt.s32 v17, v18  }
0x43: {  	v18 =	vsel vm0, v17, v18;
	v17 =	vld [tilespmem:s28+$0x10]  }
.Ltmp4:
0x44: {  	vm0 =	vlt.s32 v18, v19;
	(pc) =	sbr.rel @p0 .LBB2_3-.Ltmp4, $4  }
0x45: {  	v19 =	vsel vm0, v18, v19;
	v18 =	vld [tilespmem:s28+$0x20]  }
0x46: {  	vm0 =	vlt.s32 v19, v20  }
0x47: {  	v20 =	vsel vm0, v19, v20;
	v19 =	vld [tilespmem:s28+$0x30]  }
0x48: {  	s28 =	sadd.s32 $0x80, s28;
	vm0 =	vlt.s32 v20, v17  }
0x49: {  	v17 =	vsel vm0, v20, v17  }
0x4a: {  	vm0 =	vlt.s32 v17, v18  }
0x4b: {  	v17 =	vsel vm0, v17, v18  }
0x4c: {  	vm0 =	vlt.s32 v17, v19  }
0x4d: {  	v17 =	vsel vm0, v17, v19  }
0x4e: {  	v17 =	vxor.u32 $0x80000000, v17  }
0x4f: {  	(xrf0) =	vmin.scan.msk.u32 $0xffff, v17;
	_ =	sdelay $0x5  }
0x50: {  	v17, _, _ =	vpop (xrf0)  }
0x51: {  	(v2sf) =	vpush v17, $0xF;
	_ =	sdelay $0xe  }
0x52: {  	s26 =	spop (v2sf)  }
0x53: {  	p0 =	sne.s32 s26, $0x80000000  }
.Ltmp5:
0x54: {  	_ = 	snop;
	(pc) =	sbr.rel @p0 .LBB2_8-.Ltmp5, $1  }
0x55: {  	_ =	sdelay $0x3  }
0x56: {  	s26 =	simm.s32 $0xB00  }
0x57: {  	v22 =	vld [tilespmem:s26+$0xFFFFFFA0]  }
0x58: {  	v20 =	vld [tilespmem:s26+$0xFFFFFFF0]  }
0x59: {  	v17 =	vld [tilespmem:s26+$0xFFFFFF60]  }
0x5a: {  	v23 =	vld [tilespmem:s26+$0xFFFFFFD0]  }
0x5b: {  	v24 =	vld [tilespmem:s26+$0x80]  }
0x5c: {  	v27 =	vld [tilespmem:s26+$0xFFFFFF10]  }
0x5d: {  	s28 =	simm.s32 $0x0;
	v31 =	vld [tilespmem:s26+$0xE0]  }
0x5e: {  	v19 =	vld [tilespmem:s28+$0x0]  }
0x5f: {  	v26 =	vld [tilespmem:s26+$0xFFFFFF40]  }
0x60: {  	v18 =	vld [tilespmem:s26+$0xFFFFFF90]  }
0x61: {  	v25 =	vld [tilespmem:s26+$0xFFFFFFC0]  }
0x62: {  	v29 =	vld [tilespmem:s26+$0xFFFFFF00]  }
0x63: {  	v28 =	vld [tilespmem:s26+$0xD0];
	vm0 =	veq.s32 v19, $0x0  }
0x64: {  	v38 =	vld [tilespmem:s26+$0xC0];
	v19 =	vsel vm0, $0x0, v1  }
0x65: {  	v36 =	vld [tilespmem:s26+$0x90];
	v34 =	vperm.xlane v19, v0;
	v21 =	vperm.xlane v19, v16  }
0x66: {  	v37 =	vld [tilespmem:s26+$0xFFFFFF50];
	v35 =	vperm.xlane v19, v3;
	v32 =	vperm.xlane v19, v15  }
0x67: {  	v33 =	vld [tilespmem:s26+$0xB0];
	v30 =	vperm.xlane v19, v13;
	v40 =	vmul.f32 v29, v34  }
0x68: {  	s29 =	simm.s32 $0xB00;
	s28 =	simm.s32 $0x40;
	v29 =	vperm.xlane v19, v14;
	v39 =	vmul.f32 v26, v35;
	v26 =	vld [tilespmem:s26+$0x60]  }
.LBB2_6:
0x69: {  	p0 =	sne.s32 s28, $0x13C0  }
0x6a: {  	[tilespmem:s26+$0xFFFFFF00] =	vst v40;
	v40 =	vld [tilespmem:s26+$0xFFFFFFB0];
	v38 =	vmul.f32 v38, v32;
	v31 =	vmul.f32 v31, v21;
	s29 =	sadd.s32 $0x200, s29;
	s30 =	smov.u32 s28;
	s28 =	sadd.s32 $0x40, s28  }
0x6b: {  	[tilespmem:s26+$0xFFFFFF40] =	vst v39;
	v39 =	vperm.xlane v19, v11;
	v36 =	vmul.f32 v36, v30;
	v41 =	vld [tilespmem:s26+$0xA0]  }
0x6c: {  	v27 =	vmul.f32 v27, v34;
	v34 =	vmul.f32 v37, v35;
	v35 =	vld [tilespmem:s26+$0x70];
	[tilespmem:s26+$0xE0] =	vst v31  }
0x6d: {  	v31 =	vperm.xlane v19, v6;
	v37 =	vld [tilespmem:s26+$0xFFFFFFE0];
	v33 =	vmul.f32 v33, v29;
	[tilespmem:s26+$0xC0] =	vst v38  }
0x6e: {  	v28 =	vmul.f32 v28, v32;
	v38 =	vperm.xlane v19, v7;
	[tilespmem:s26+$0xFFFFFF10] =	vst v27;
	v27 =	vld [tilespmem:s26+$0xFFFFFF20]  }
0x6f: {  	v42 =	vperm.xlane v19, v12;
	v22 =	vmul.f32 v22, v31;
	v32 =	vld [tilespmem:s26+$0x40];
	[tilespmem:s26+$0x90] =	vst v36  }
0x70: {  	[tilespmem:s26+$0xFFFFFF50] =	vst v34;
	v34 =	vperm.xlane v19, v10;
	v36 =	vld [tilespmem:s26+$0x20];
	v29 =	vmul.f32 v41, v29  }
0x71: {  	v31 =	vmul.f32 v40, v31;
	v40 =	vld [tilespmem:s26+$0x50];
	v35 =	vmul.f32 v35, v42;
	[tilespmem:s26+$0xD0] =	vst v28  }
0x72: {  	v24 =	vmul.f32 v24, v30;
	v28 =	vperm.xlane v19, v8;
	v41 =	vld [tilespmem:s26+$0x30];
	[tilespmem:s26+$0xA0] =	vst v29  }
0x73: {  	v25 =	vmul.f32 v25, v38;
	v29 =	vperm.xlane v19, v4;
	v30 =	vld [tilespmem:s26+$0x0];
	[tilespmem:s26+$0x70] =	vst v35  }
0x74: {  	v26 =	vmul.f32 v26, v42;
	v23 =	vmul.f32 v23, v38;
	v35 =	vld [tilespmem:s26+$0x10];
	[tilespmem:s26+$0x80] =	vst v24  }
0x75: {  	v38 =	vperm.xlane v19, v9;
	v32 =	vmul.f32 v32, v39;
	v24 =	vld [tilespmem:s26+$0xFFFFFF30];
	[tilespmem:s26+$0xB0] =	vst v33  }
0x76: {  	v33 =	vperm.xlane v19, v2;
	v42 =	vld [tilespmem:s26+$0xFFFFFF70];
	[tilespmem:s26+$0xFFFFFFD0] =	vst v23;
	v39 =	vmul.f32 v40, v39  }
0x77: {  	v20 =	vmul.f32 v20, v28;
	v23 =	vmul.f32 v37, v28;
	[tilespmem:s26+$0xFFFFFFC0] =	vst v25;
	v25 =	vld [tilespmem:s26+$0xF0]  }
0x78: {  	v37 =	vmul.f32 v41, v34;
	v28 =	vld [tilespmem:s26+$0xFFFFFF80];
	[tilespmem:s26+$0xFFFFFFA0] =	vst v22;
	v30 =	vmul.f32 v30, v38  }
0x79: {  	v22 =	vld [tilespmem:s29+$0xFFFFFFA0];
	[tilespmem:s26+$0xFFFFFFF0] =	vst v20;
	v35 =	vmul.f32 v35, v38;
	v20 =	vmul.f32 v36, v34  }
0x7a: {  	v27 =	vmul.f32 v27, v33;
	v33 =	vmul.f32 v24, v33;
	[tilespmem:s26+$0x60] =	vst v26  }
0x7b: {  	v17 =	vmul.f32 v17, v29;
	v24 =	vmul.f32 v42, v29;
	[tilespmem:s26+$0xFFFFFFB0] =	vst v31  }
0x7c: {  	v19 =	vperm.xlane v19, v5;
	[tilespmem:s26+$0xFFFFFF20] =	vst v27;
	v21 =	vmul.f32 v25, v21  }
0x7d: {  	[tilespmem:s26+$0xFFFFFF60] =	vst v17  }
0x7e: {  	v25 =	vmul.f32 v28, v19;
	v17 =	vmul.f32 v18, v19;
	[tilespmem:s26+$0x40] =	vst v32  }
0x7f: {  	[tilespmem:s26+$0xFFFFFFE0] =	vst v23  }
0x80: {  	[tilespmem:s26+$0xF0] =	vst v21  }
0x81: {  	[tilespmem:s26+$0xFFFFFF90] =	vst v17  }
0x82: {  	[tilespmem:s26+$0xFFFFFF70] =	vst v24  }
0x83: {  	[tilespmem:s26+$0x20] =	vst v20  }
0x84: {  	v20 =	vld [tilespmem:s29+$0xFFFFFFF0];
	[tilespmem:s26+$0x30] =	vst v37  }
0x85: {  	v17 =	vld [tilespmem:s29+$0xFFFFFF60];
	[tilespmem:s26+$0xFFFFFF80] =	vst v25  }
0x86: {  	v23 =	vld [tilespmem:s29+$0xFFFFFFD0];
	[tilespmem:s26+$0x50] =	vst v39  }
0x87: {  	v24 =	vld [tilespmem:s29+$0x80];
	[tilespmem:s26+$0x0] =	vst v30  }
0x88: {  	v27 =	vld [tilespmem:s29+$0xFFFFFF10];
	[tilespmem:s26+$0xFFFFFF30] =	vst v33  }
0x89: {  	s30 =	sshra.s32 s30, $0x2;
	v31 =	vld [tilespmem:s29+$0xE0];
	[tilespmem:s26+$0x10] =	vst v35;
	s26 =	smov.u32 s29  }
0x8a: {  	v19 =	vld [tilespmem:s30+$0x0]  }
0x8b: {  	v26 =	vld [tilespmem:s29+$0xFFFFFF40]  }
0x8c: {  	v18 =	vld [tilespmem:s29+$0xFFFFFF90]  }
0x8d: {  	v25 =	vld [tilespmem:s29+$0xFFFFFFC0]  }
0x8e: {  	v29 =	vld [tilespmem:s29+$0xFFFFFF00]  }
0x8f: {  	vm0 =	veq.s32 v19, $0x0;
	v28 =	vld [tilespmem:s29+$0xD0]  }
.Ltmp6:
0x90: {  	v19 =	vsel vm0, $0x0, v1;
	v38 =	vld [tilespmem:s29+$0xC0];
	(pc) =	sbr.rel @p0 .LBB2_6-.Ltmp6, $4  }
0x91: {  	v34 =	vperm.xlane v19, v0;
	v36 =	vld [tilespmem:s29+$0x90];
	v21 =	vperm.xlane v19, v16  }
0x92: {  	v35 =	vperm.xlane v19, v3;
	v32 =	vperm.xlane v19, v15;
	v37 =	vld [tilespmem:s29+$0xFFFFFF50]  }
0x93: {  	v40 =	vmul.f32 v29, v34;
	v29 =	vperm.xlane v19, v14;
	v33 =	vld [tilespmem:s29+$0xB0]  }
0x94: {  	v30 =	vperm.xlane v19, v13;
	v39 =	vmul.f32 v26, v35;
	v26 =	vld [tilespmem:s29+$0x60]  }
0x95: {  	[tilespmem:s26+$0xFFFFFF00] =	vst v40;
	v31 =	vmul.f32 v31, v21  }
0x96: {  	v38 =	vmul.f32 v38, v32;
	[tilespmem:s26+$0xFFFFFF40] =	vst v39  }
0x97: {  	v27 =	vmul.f32 v27, v34;
	[tilespmem:s26+$0xE0] =	vst v31  }
0x98: {  	v28 =	vmul.f32 v28, v32;
	[tilespmem:s26+$0xC0] =	vst v38  }
0x99: {  	v58 =	vmul.f32 v36, v30;
	[tilespmem:s26+$0xFFFFFF10] =	vst v27  }
0x9a: {  	v41 =	vperm.xlane v19, v7;
	v24 =	vmul.f32 v24, v30;
	[tilespmem:s26+$0xD0] =	vst v28  }
0x9b: {  	v35 =	vmul.f32 v37, v35;
	[tilespmem:s26+$0x90] =	vst v58  }
0x9c: {  	v45 =	vperm.xlane v19, v6;
	v23 =	vmul.f32 v23, v41;
	[tilespmem:s26+$0x80] =	vst v24  }
0x9d: {  	v47 =	vperm.xlane v19, v8;
	v25 =	vmul.f32 v25, v41;
	[tilespmem:s26+$0xFFFFFF50] =	vst v35  }
0x9e: {  	v56 =	vld [tilespmem:s26+$0xA0];
	v54 =	vperm.xlane v19, v4;
	v22 =	vmul.f32 v22, v45;
	[tilespmem:s26+$0xFFFFFFD0] =	vst v23  }
0x9f: {  	v57 =	vld [tilespmem:s26+$0x70];
	v20 =	vmul.f32 v20, v47;
	[tilespmem:s26+$0xFFFFFFC0] =	vst v25  }
0xa0: {  	v59 =	vld [tilespmem:s26+$0xFFFFFFB0];
	v61 =	vperm.xlane v19, v12;
	v17 =	vmul.f32 v17, v54;
	[tilespmem:s26+$0xFFFFFFA0] =	vst v22  }
0xa1: {  	v60 =	vld [tilespmem:s26+$0xFFFFFF20];
	v43 =	vmul.f32 v33, v29;
	[tilespmem:s26+$0xFFFFFFF0] =	vst v20  }
0xa2: {  	v62 =	vld [tilespmem:s26+$0xFFFFFFE0];
	v26 =	vmul.f32 v26, v61;
	[tilespmem:s26+$0xFFFFFF60] =	vst v17  }
0xa3: {  	v55 =	vld [tilespmem:s26+$0xF0];
	v63 =	vmul.f32 v56, v29;
	[tilespmem:s26+$0xB0] =	vst v43  }
0xa4: {  	v49 =	vld [tilespmem:s26+$0xFFFFFF70];
	v52 =	vperm.xlane v19, v2;
	v34 =	vmul.f32 v57, v61;
	[tilespmem:s26+$0x60] =	vst v26  }
0xa5: {  	v40 =	vld [tilespmem:s26+$0x40];
	v53 =	vmul.f32 v59, v45;
	[tilespmem:s26+$0xA0] =	vst v63  }
0xa6: {  	v27 =	vmul.f32 v60, v52;
	[tilespmem:s26+$0x70] =	vst v34  }
0xa7: {  	v44 =	vld [tilespmem:s26+$0x20];
	v24 =	vmul.f32 v62, v47;
	[tilespmem:s26+$0xFFFFFFB0] =	vst v53  }
0xa8: {  	v50 =	vld [tilespmem:s26+$0xFFFFFF80];
	v56 =	vperm.xlane v19, v11;
	v17 =	vmul.f32 v55, v21;
	[tilespmem:s26+$0xFFFFFF20] =	vst v27  }
0xa9: {  	v46 =	vld [tilespmem:s26+$0x30];
	v59 =	vperm.xlane v19, v5;
	v61 =	vmul.f32 v49, v54;
	[tilespmem:s26+$0xFFFFFFE0] =	vst v24  }
0xaa: {  	v42 =	vld [tilespmem:s26+$0x50];
	v60 =	vperm.xlane v19, v10;
	v58 =	vmul.f32 v40, v56;
	[tilespmem:s26+$0xF0] =	vst v17  }
0xab: {  	v57 =	vld [tilespmem:s26+$0xFFFFFF30];
	v18 =	vmul.f32 v18, v59;
	[tilespmem:s26+$0xFFFFFF70] =	vst v61  }
0xac: {  	v48 =	vld [tilespmem:s26+$0x0];
	v17 =	vmul.f32 v44, v60;
	[tilespmem:s26+$0x40] =	vst v58  }
0xad: {  	v51 =	vld [tilespmem:s26+$0x10];
	v62 =	vmul.f32 v50, v59;
	[tilespmem:s26+$0xFFFFFF90] =	vst v18  }
0xae: {  	v18 =	vmul.f32 v46, v60;
	[tilespmem:s26+$0x20] =	vst v17  }
0xaf: {  	v19 =	vperm.xlane v19, v9;
	v17 =	vmul.f32 v42, v56;
	[tilespmem:s26+$0xFFFFFF80] =	vst v62  }
0xb0: {  	v63 =	vmul.f32 v57, v52;
	[tilespmem:s26+$0x30] =	vst v18  }
0xb1: {  	v18 =	vmul.f32 v48, v19;
	[tilespmem:s26+$0x50] =	vst v17  }
0xb2: {  	v17 =	vmul.f32 v51, v19;
	[tilespmem:s26+$0xFFFFFF30] =	vst v63  }
0xb3: {  	[tilespmem:s26+$0x0] =	vst v18  }
0xb4: {  	[tilespmem:s26+$0x10] =	vst v17  }
.LBB2_8:
0xb5: {  	[hbm4b:s25+s16] =	stream.strided.scatter [tilespmem:s13], [sflag:$0x3], $0xA000, s17, s16, $0x38;
	[tilespmem:$0x14A00] =	vst v63  }
0xb6: {  	p0 =	seq.s32 s22, $0x9  }
0xb7: {  	s25 =	simm.s32 @!p0 $0x3  }
0xb8: {  	s24 =	sadd.s32 @!p0 s24, s9;
	_ =	swait.ge @!p0 [sflag:s25], $0xA000  }
0xb9: {  	s24 =	sshrl.u32 @!p0 s24, $0x3;
	[sflag:s25] =	ssyncset.done @!p0 $0x0  }
0xba: {  	s24 =	sadd.s32 @!p0 s2, s24;
	[sflag:s25] =	ssyncadd.s32 @!p0 $0xFFFF6000;
	s25 =	simm.s32 @!p0 $0x0  }
0xbb: {  	[tilespmem:s25], [sflag:$0x5] =	stream.linear.gather @!p0 [hbm4b:s24+s25], $0x500, $0x38;
	[tilespmem:$0x14A00] =	vst v63  }
0xbc: {  	s24 =	simm.s32 @!p0 $0x5  }
0xbd: {  	_ =	swait.ge @!p0 [sflag:s24], $0x500  }
0xbe: {  	[sflag:s24] =	ssyncset.done @!p0 $0x0  }
0xbf: {  	s26 =	simm.s32 @!p0 $0xA00;
	[sflag:s24] =	ssyncadd.s32 @!p0 $0xFFFFFB00;
	s24 =	simm.s32 @!p0 $0x500  }
0xc0: {  	[tilespmem:s26], [sflag:$0x1] =	stream.indirect.gather @!p0 [hbm4b:s5+s24], $0x20, s25, s24, $0xb8;
	[tilespmem:$0x14A00] =	vst v63  }
0xc1: {  	_ =	swait.ge [sflag:s18], $0xA000  }
0xc2: {  	[sflag:s18] =	ssyncset.done $0x0  }
0xc3: {  	s31 =	simm.s32 $0x540;
	[sflag:s18] =	ssyncadd.s32 $0xFFFF6000  }
0xc4: {  	v17 =	vld [tilespmem:s31+$0xFFFFFFC0];
	_ =	sdelay $0x1  }
0xc5: {  	v18 =	vld [tilespmem:s31+$0xFFFFFFD0];
	_ =	sdelay $0x1  }
0xc6: {  	v19 =	vimm.s32 $0x1;
	v20 =	vld [tilespmem:s31+$0xFFFFFFE0]  }
0xc7: {  	vm0 =	vlt.s32 v19, v17  }
0xc8: {  	v17 =	vsel vm0, v19, v17;
	v19 =	vld [tilespmem:s31+$0xFFFFFFF0]  }
0xc9: {  	vm0 =	vlt.s32 v17, v18  }
0xca: {  	v21 =	vld [tilespmem:s31+$0x0];
	v17 =	vsel vm0, v17, v18  }
0xcb: {  	vm0 =	vlt.s32 v17, v20  }
0xcc: {  	v18 =	vsel vm0, v17, v20;
	v17 =	vld [tilespmem:s31+$0x10]  }
0xcd: {  	vm0 =	vlt.s32 v18, v19  }
0xce: {  	v19 =	vsel vm0, v18, v19;
	v18 =	vld [tilespmem:s31+$0x20]  }
0xcf: {  	s23 =	sshll.u32 s23, $0x4;
	vm0 =	vlt.s32 v19, v21  }
0xd0: {  	s22 =	sadd.s32 $0x1, s22;
	s23 =	sand.u32 $0x1FFFF000, s23;
	v20 =	vsel vm0, v19, v21;
	v19 =	vld [tilespmem:s31+$0x30]  }
0xd1: {  	s23 =	sadd.s32 s6, s23;
	s24 =	simm.s32 $0x0;
	s25 =	simm.s32 $0x5C0;
	vm0 =	vlt.s32 v20, v17  }
.LBB2_9:
0xd2: {  	v21 =	vld [tilespmem:s25+$0xFFFFFFC0];
	s24 =	sadd.s32 $0x8, s24;
	v17 =	vsel vm0, v20, v17  }
0xd3: {  	p0 =	slt.u32 s24, $0x48;
	vm0 =	vlt.s32 v17, v18  }
0xd4: {  	v20 =	vld [tilespmem:s25+$0xFFFFFFD0];
	v17 =	vsel vm0, v17, v18  }
0xd5: {  	vm0 =	vlt.s32 v17, v19  }
0xd6: {  	v18 =	vld [tilespmem:s25+$0xFFFFFFE0];
	v17 =	vsel vm0, v17, v19  }
0xd7: {  	vm0 =	vlt.s32 v17, v21  }
0xd8: {  	v17 =	vsel vm0, v17, v21;
	v19 =	vld [tilespmem:s25+$0xFFFFFFF0]  }
0xd9: {  	vm0 =	vlt.s32 v17, v20  }
0xda: {  	v17 =	vsel vm0, v17, v20;
	v20 =	vld [tilespmem:s25+$0x0]  }
0xdb: {  	vm0 =	vlt.s32 v17, v18  }
0xdc: {  	v18 =	vsel vm0, v17, v18;
	v17 =	vld [tilespmem:s25+$0x10]  }
.Ltmp7:
0xdd: {  	vm0 =	vlt.s32 v18, v19;
	(pc) =	sbr.rel @p0 .LBB2_9-.Ltmp7, $4  }
0xde: {  	v19 =	vsel vm0, v18, v19;
	v18 =	vld [tilespmem:s25+$0x20]  }
0xdf: {  	vm0 =	vlt.s32 v19, v20  }
0xe0: {  	v20 =	vsel vm0, v19, v20;
	v19 =	vld [tilespmem:s25+$0x30]  }
0xe1: {  	s25 =	sadd.s32 $0x80, s25;
	vm0 =	vlt.s32 v20, v17  }
0xe2: {  	v17 =	vsel vm0, v20, v17  }
0xe3: {  	vm0 =	vlt.s32 v17, v18  }
0xe4: {  	v17 =	vsel vm0, v17, v18  }
0xe5: {  	vm0 =	vlt.s32 v17, v19  }
0xe6: {  	v17 =	vsel vm0, v17, v19  }
0xe7: {  	v17 =	vxor.u32 $0x80000000, v17  }
0xe8: {  	(xrf0) =	vmin.scan.msk.u32 $0xffff, v17;
	_ =	sdelay $0x5  }
0xe9: {  	v17, _, _ =	vpop (xrf0)  }
0xea: {  	(v2sf) =	vpush v17, $0xF;
	_ =	sdelay $0xe  }
0xeb: {  	s24 =	spop (v2sf)  }
0xec: {  	p0 =	sne.s32 s24, $0x80000000  }
.Ltmp8:
0xed: {  	_ = 	snop;
	(pc) =	sbr.rel @p0 .LBB2_14-.Ltmp8, $1  }
0xee: {  	_ =	sdelay $0x3  }
0xef: {  	s24 =	simm.s32 $0xAB00  }
0xf0: {  	v22 =	vld [tilespmem:s24+$0xFFFFFFA0]  }
0xf1: {  	v20 =	vld [tilespmem:s24+$0xFFFFFFF0]  }
0xf2: {  	v17 =	vld [tilespmem:s24+$0xFFFFFF60]  }
0xf3: {  	v23 =	vld [tilespmem:s24+$0xFFFFFFD0]  }
0xf4: {  	v24 =	vld [tilespmem:s24+$0x80]  }
0xf5: {  	v27 =	vld [tilespmem:s24+$0xFFFFFF10]  }
0xf6: {  	s25 =	simm.s32 $0x0;
	v31 =	vld [tilespmem:s24+$0xE0]  }
0xf7: {  	v19 =	vld [tilespmem:s25+$0x500]  }
0xf8: {  	v26 =	vld [tilespmem:s24+$0xFFFFFF40]  }
0xf9: {  	v18 =	vld [tilespmem:s24+$0xFFFFFF90]  }
0xfa: {  	v25 =	vld [tilespmem:s24+$0xFFFFFFC0]  }
0xfb: {  	v29 =	vld [tilespmem:s24+$0xFFFFFF00]  }
0xfc: {  	v28 =	vld [tilespmem:s24+$0xD0];
	vm0 =	veq.s32 v19, $0x0  }
0xfd: {  	v38 =	vld [tilespmem:s24+$0xC0];
	v19 =	vsel vm0, $0x0, v1  }
0xfe: {  	v36 =	vld [tilespmem:s24+$0x90];
	v34 =	vperm.xlane v19, v0;
	v21 =	vperm.xlane v19, v16  }
0xff: {  	v37 =	vld [tilespmem:s24+$0xFFFFFF50];
	v35 =	vperm.xlane v19, v3;
	v32 =	vperm.xlane v19, v15  }
0x100: {  	v33 =	vld [tilespmem:s24+$0xB0];
	v30 =	vperm.xlane v19, v13;
	v40 =	vmul.f32 v29, v34  }
0x101: {  	s26 =	simm.s32 $0xAB00;
	s25 =	simm.s32 $0x40;
	v29 =	vperm.xlane v19, v14;
	v39 =	vmul.f32 v26, v35;
	v26 =	vld [tilespmem:s24+$0x60]  }
.LBB2_12:
0x102: {  	p0 =	sne.s32 s25, $0x13C0  }
0x103: {  	[tilespmem:s24+$0xFFFFFF00] =	vst v40;
	v40 =	vld [tilespmem:s24+$0xFFFFFFB0];
	v38 =	vmul.f32 v38, v32;
	v31 =	vmul.f32 v31, v21;
	s26 =	sadd.s32 $0x200, s26;
	s28 =	smov.u32 s25;
	s25 =	sadd.s32 $0x40, s25  }
0x104: {  	[tilespmem:s24+$0xFFFFFF40] =	vst v39;
	v39 =	vperm.xlane v19, v11;
	v36 =	vmul.f32 v36, v30;
	v41 =	vld [tilespmem:s24+$0xA0]  }
0x105: {  	v27 =	vmul.f32 v27, v34;
	v34 =	vmul.f32 v37, v35;
	v35 =	vld [tilespmem:s24+$0x70];
	[tilespmem:s24+$0xE0] =	vst v31  }
0x106: {  	v31 =	vperm.xlane v19, v6;
	v37 =	vld [tilespmem:s24+$0xFFFFFFE0];
	v33 =	vmul.f32 v33, v29;
	[tilespmem:s24+$0xC0] =	vst v38  }
0x107: {  	v28 =	vmul.f32 v28, v32;
	v38 =	vperm.xlane v19, v7;
	[tilespmem:s24+$0xFFFFFF10] =	vst v27;
	v27 =	vld [tilespmem:s24+$0xFFFFFF20]  }
0x108: {  	v42 =	vperm.xlane v19, v12;
	v22 =	vmul.f32 v22, v31;
	v32 =	vld [tilespmem:s24+$0x40];
	[tilespmem:s24+$0x90] =	vst v36  }
0x109: {  	[tilespmem:s24+$0xFFFFFF50] =	vst v34;
	v34 =	vperm.xlane v19, v10;
	v36 =	vld [tilespmem:s24+$0x20];
	v29 =	vmul.f32 v41, v29  }
0x10a: {  	v31 =	vmul.f32 v40, v31;
	v40 =	vld [tilespmem:s24+$0x50];
	v35 =	vmul.f32 v35, v42;
	[tilespmem:s24+$0xD0] =	vst v28  }
0x10b: {  	v24 =	vmul.f32 v24, v30;
	v28 =	vperm.xlane v19, v8;
	v41 =	vld [tilespmem:s24+$0x30];
	[tilespmem:s24+$0xA0] =	vst v29  }
0x10c: {  	v25 =	vmul.f32 v25, v38;
	v29 =	vperm.xlane v19, v4;
	v30 =	vld [tilespmem:s24+$0x0];
	[tilespmem:s24+$0x70] =	vst v35  }
0x10d: {  	v26 =	vmul.f32 v26, v42;
	v23 =	vmul.f32 v23, v38;
	v35 =	vld [tilespmem:s24+$0x10];
	[tilespmem:s24+$0x80] =	vst v24  }
0x10e: {  	v38 =	vperm.xlane v19, v9;
	v32 =	vmul.f32 v32, v39;
	v24 =	vld [tilespmem:s24+$0xFFFFFF30];
	[tilespmem:s24+$0xB0] =	vst v33  }
0x10f: {  	v33 =	vperm.xlane v19, v2;
	v42 =	vld [tilespmem:s24+$0xFFFFFF70];
	[tilespmem:s24+$0xFFFFFFD0] =	vst v23;
	v39 =	vmul.f32 v40, v39  }
0x110: {  	v20 =	vmul.f32 v20, v28;
	v23 =	vmul.f32 v37, v28;
	[tilespmem:s24+$0xFFFFFFC0] =	vst v25;
	v25 =	vld [tilespmem:s24+$0xF0]  }
0x111: {  	v37 =	vmul.f32 v41, v34;
	v28 =	vld [tilespmem:s24+$0xFFFFFF80];
	[tilespmem:s24+$0xFFFFFFA0] =	vst v22;
	v30 =	vmul.f32 v30, v38  }
0x112: {  	v22 =	vld [tilespmem:s26+$0xFFFFFFA0];
	[tilespmem:s24+$0xFFFFFFF0] =	vst v20;
	v35 =	vmul.f32 v35, v38;
	v20 =	vmul.f32 v36, v34  }
0x113: {  	v27 =	vmul.f32 v27, v33;
	v33 =	vmul.f32 v24, v33;
	[tilespmem:s24+$0x60] =	vst v26  }
0x114: {  	v17 =	vmul.f32 v17, v29;
	v24 =	vmul.f32 v42, v29;
	[tilespmem:s24+$0xFFFFFFB0] =	vst v31  }
0x115: {  	v19 =	vperm.xlane v19, v5;
	[tilespmem:s24+$0xFFFFFF20] =	vst v27;
	v21 =	vmul.f32 v25, v21  }
0x116: {  	[tilespmem:s24+$0xFFFFFF60] =	vst v17  }
0x117: {  	v25 =	vmul.f32 v28, v19;
	v17 =	vmul.f32 v18, v19;
	[tilespmem:s24+$0x40] =	vst v32  }
0x118: {  	[tilespmem:s24+$0xFFFFFFE0] =	vst v23  }
0x119: {  	[tilespmem:s24+$0xF0] =	vst v21  }
0x11a: {  	[tilespmem:s24+$0xFFFFFF90] =	vst v17  }
0x11b: {  	[tilespmem:s24+$0xFFFFFF70] =	vst v24  }
0x11c: {  	[tilespmem:s24+$0x20] =	vst v20  }
0x11d: {  	v20 =	vld [tilespmem:s26+$0xFFFFFFF0];
	[tilespmem:s24+$0x30] =	vst v37  }
0x11e: {  	v17 =	vld [tilespmem:s26+$0xFFFFFF60];
	[tilespmem:s24+$0xFFFFFF80] =	vst v25  }
0x11f: {  	v23 =	vld [tilespmem:s26+$0xFFFFFFD0];
	[tilespmem:s24+$0x50] =	vst v39  }
0x120: {  	v24 =	vld [tilespmem:s26+$0x80];
	[tilespmem:s24+$0x0] =	vst v30  }
0x121: {  	v27 =	vld [tilespmem:s26+$0xFFFFFF10];
	[tilespmem:s24+$0xFFFFFF30] =	vst v33  }
0x122: {  	s28 =	sshra.s32 s28, $0x2;
	v31 =	vld [tilespmem:s26+$0xE0];
	[tilespmem:s24+$0x10] =	vst v35;
	s24 =	smov.u32 s26  }
0x123: {  	v19 =	vld [tilespmem:s28+$0x500]  }
0x124: {  	v26 =	vld [tilespmem:s26+$0xFFFFFF40]  }
0x125: {  	v18 =	vld [tilespmem:s26+$0xFFFFFF90]  }
0x126: {  	v25 =	vld [tilespmem:s26+$0xFFFFFFC0]  }
0x127: {  	v29 =	vld [tilespmem:s26+$0xFFFFFF00]  }
0x128: {  	vm0 =	veq.s32 v19, $0x0;
	v28 =	vld [tilespmem:s26+$0xD0]  }
.Ltmp9:
0x129: {  	v19 =	vsel vm0, $0x0, v1;
	v38 =	vld [tilespmem:s26+$0xC0];
	(pc) =	sbr.rel @p0 .LBB2_12-.Ltmp9, $4  }
0x12a: {  	v34 =	vperm.xlane v19, v0;
	v36 =	vld [tilespmem:s26+$0x90];
	v21 =	vperm.xlane v19, v16  }
0x12b: {  	v35 =	vperm.xlane v19, v3;
	v32 =	vperm.xlane v19, v15;
	v37 =	vld [tilespmem:s26+$0xFFFFFF50]  }
0x12c: {  	v40 =	vmul.f32 v29, v34;
	v29 =	vperm.xlane v19, v14;
	v33 =	vld [tilespmem:s26+$0xB0]  }
0x12d: {  	v30 =	vperm.xlane v19, v13;
	v39 =	vmul.f32 v26, v35;
	v26 =	vld [tilespmem:s26+$0x60]  }
0x12e: {  	[tilespmem:s24+$0xFFFFFF00] =	vst v40;
	v31 =	vmul.f32 v31, v21  }
0x12f: {  	v38 =	vmul.f32 v38, v32;
	[tilespmem:s24+$0xFFFFFF40] =	vst v39  }
0x130: {  	v27 =	vmul.f32 v27, v34;
	[tilespmem:s24+$0xE0] =	vst v31  }
0x131: {  	v28 =	vmul.f32 v28, v32;
	[tilespmem:s24+$0xC0] =	vst v38  }
0x132: {  	v58 =	vmul.f32 v36, v30;
	[tilespmem:s24+$0xFFFFFF10] =	vst v27  }
0x133: {  	v41 =	vperm.xlane v19, v7;
	v24 =	vmul.f32 v24, v30;
	[tilespmem:s24+$0xD0] =	vst v28  }
0x134: {  	v35 =	vmul.f32 v37, v35;
	[tilespmem:s24+$0x90] =	vst v58  }
0x135: {  	v45 =	vperm.xlane v19, v6;
	v23 =	vmul.f32 v23, v41;
	[tilespmem:s24+$0x80] =	vst v24  }
0x136: {  	v47 =	vperm.xlane v19, v8;
	v25 =	vmul.f32 v25, v41;
	[tilespmem:s24+$0xFFFFFF50] =	vst v35  }
0x137: {  	v56 =	vld [tilespmem:s24+$0xA0];
	v54 =	vperm.xlane v19, v4;
	v22 =	vmul.f32 v22, v45;
	[tilespmem:s24+$0xFFFFFFD0] =	vst v23  }
0x138: {  	v57 =	vld [tilespmem:s24+$0x70];
	v20 =	vmul.f32 v20, v47;
	[tilespmem:s24+$0xFFFFFFC0] =	vst v25  }
0x139: {  	v59 =	vld [tilespmem:s24+$0xFFFFFFB0];
	v61 =	vperm.xlane v19, v12;
	v17 =	vmul.f32 v17, v54;
	[tilespmem:s24+$0xFFFFFFA0] =	vst v22  }
0x13a: {  	v60 =	vld [tilespmem:s24+$0xFFFFFF20];
	v43 =	vmul.f32 v33, v29;
	[tilespmem:s24+$0xFFFFFFF0] =	vst v20  }
0x13b: {  	v62 =	vld [tilespmem:s24+$0xFFFFFFE0];
	v26 =	vmul.f32 v26, v61;
	[tilespmem:s24+$0xFFFFFF60] =	vst v17  }
0x13c: {  	v55 =	vld [tilespmem:s24+$0xF0];
	v63 =	vmul.f32 v56, v29;
	[tilespmem:s24+$0xB0] =	vst v43  }
0x13d: {  	v49 =	vld [tilespmem:s24+$0xFFFFFF70];
	v52 =	vperm.xlane v19, v2;
	v34 =	vmul.f32 v57, v61;
	[tilespmem:s24+$0x60] =	vst v26  }
0x13e: {  	v40 =	vld [tilespmem:s24+$0x40];
	v53 =	vmul.f32 v59, v45;
	[tilespmem:s24+$0xA0] =	vst v63  }
0x13f: {  	v27 =	vmul.f32 v60, v52;
	[tilespmem:s24+$0x70] =	vst v34  }
0x140: {  	v44 =	vld [tilespmem:s24+$0x20];
	v24 =	vmul.f32 v62, v47;
	[tilespmem:s24+$0xFFFFFFB0] =	vst v53  }
0x141: {  	v50 =	vld [tilespmem:s24+$0xFFFFFF80];
	v56 =	vperm.xlane v19, v11;
	v17 =	vmul.f32 v55, v21;
	[tilespmem:s24+$0xFFFFFF20] =	vst v27  }
0x142: {  	v46 =	vld [tilespmem:s24+$0x30];
	v59 =	vperm.xlane v19, v5;
	v61 =	vmul.f32 v49, v54;
	[tilespmem:s24+$0xFFFFFFE0] =	vst v24  }
0x143: {  	v42 =	vld [tilespmem:s24+$0x50];
	v60 =	vperm.xlane v19, v10;
	v58 =	vmul.f32 v40, v56;
	[tilespmem:s24+$0xF0] =	vst v17  }
0x144: {  	v57 =	vld [tilespmem:s24+$0xFFFFFF30];
	v18 =	vmul.f32 v18, v59;
	[tilespmem:s24+$0xFFFFFF70] =	vst v61  }
0x145: {  	v48 =	vld [tilespmem:s24+$0x0];
	v17 =	vmul.f32 v44, v60;
	[tilespmem:s24+$0x40] =	vst v58  }
0x146: {  	v51 =	vld [tilespmem:s24+$0x10];
	v62 =	vmul.f32 v50, v59;
	[tilespmem:s24+$0xFFFFFF90] =	vst v18  }
0x147: {  	v18 =	vmul.f32 v46, v60;
	[tilespmem:s24+$0x20] =	vst v17  }
0x148: {  	v19 =	vperm.xlane v19, v9;
	v17 =	vmul.f32 v42, v56;
	[tilespmem:s24+$0xFFFFFF80] =	vst v62  }
.Ltmp10:
0x149: {  	v63 =	vmul.f32 v57, v52;
	[tilespmem:s24+$0x30] =	vst v18;
	(pc) =	sbr.rel .LBB2_14-.Ltmp10, $4  }
0x14a: {  	v18 =	vmul.f32 v48, v19;
	[tilespmem:s24+$0x50] =	vst v17  }
0x14b: {  	v17 =	vmul.f32 v51, v19;
	[tilespmem:s24+$0xFFFFFF30] =	vst v63  }
0x14c: {  	[tilespmem:s24+$0x0] =	vst v18  }
0x14d: {  	[tilespmem:s24+$0x10] =	vst v17  }
.LBB2_16:
0x14e: {  	_ =	sfence.sel $0x180000  }
0x14f: {  	[bflag:$0x0] =	sbarrier.arrive $0xFFFF  }
0x150: {  	p0 =	sne.s32 s0, $0x0;
	_ =	strace $0x90000047  }
0x151: {  	s0 =	sadd.s32 @!p0 $0x100000, s1;
	[bflag:$0x2] =	sbarrier.arrive $0xFFFF  }
0x152: {  	[sflag:s0] =	ssyncadd.tile.s32 @!p0 $0x1;
	_ =	shalt  }
.Lfunc_end2:
_tile_overlayer_lowered:
.L_overlay_start_2:
0x153: {  	(tag) =	ssettag $0x2  }
0x154: {  	s0 =	rddreg [dreg:$0x0];
	s2 =	stileid.u32  }
0x155: {  	s1 =	rddreg [dreg:$0x1];
	p0 =	sne.s32 s2, $0x0  }
0x156: {  	s3 =	rddreg [dreg:$0x2];
	[bflag:$0x3] =	sbarrier.arrive $0xFFFF;
	s2 =	simm.s32 @!p0 $0x1C05  }
0x157: {  	[timem:s3], [sflag:s2] =	dma.local @!p0 [hbm:s0], s1  }
0x158: {  	s0 =	simm.s32 @!p0 $0x5  }
0x159: {  	_ =	swait.ge @!p0 [sflag:s0], s1  }
0x15a: {  	s1 =	ssub.s32 @!p0 $0x0, s1;
	[sflag:s0] =	ssyncset.done @!p0 $0x0  }
0x15b: {  	[sflag:s0] =	ssyncadd.s32 @!p0 s1  }
0x15c: {  	[bflag:$0x3] =	sbarrier.arrive $0xFFFF  }
0x15d: {  	_ =	shalt  }

// kernel: sparse-core-data-format-call.cloned.1.call-start
scs
called_computation_lowered:
.L_overlay_start_0:
0x0: {  	s2 =	sld [smem:$0x3FD9]  }
0x1: {  	s3 =	sld [smem:$0x3FFE];
	_ =	sdelay $0x1  }
0x2: {  	s1 =	srdreg.scid  }
0x3: {  	s0 =	sand.u32 $0x1, s1  }
0x4: {  	s18 =	sshll.u32 s0, $0xA;
	s2 =	sadd.s32 s3, s2  }
0x5: {  	s2 =	sadd.s32 s2, s18  }
0x6: {  	[smem:$0x3FC6] =	sst s2  }
0x7: {  	_ = 	snop  }
0x8: {  	s2 =	sld [smem:$0x3FD0];
	(tm) =	ssettm $0x1  }
0x9: {  	s19 =	sld [smem:$0x3FFB];
	_ =	sdelay $0x3  }
0xa: {  	_ =	strace s19  }
0xb: {  	s3 =	sld [smem:$0x3FFC];
	_ =	sdelay $0x3  }
0xc: {  	_ =	strace s3  }
0xd: {  	s3 =	sld [smem:$0x3FFD];
	_ =	sdelay $0x3  }
0xe: {  	_ =	strace s3  }
0xf: {  	_ =	strace $0x8FFFFFFF  }
0x10: {  	s20 =	sld [smem:$0x3FDB];
	_ =	sdelay $0x1  }
0x11: {  	s4 =	simm.s32 $_scs_section_size  }
0x12: {  	s5 =	simm.s32 $_size__tile_overlayer_lowered;
	s6 =	simm.s32 $_tile_overlayer_lowered  }
0x13: {  	s23 =	simm.s32 $0x1BFF;
	s22 =	sshll.u32 s6, $0x1;
	s3 =	sadd.s32 s4, s20  }
0x14: {  	s7 =	simm.s32 $0x0;
	s21 =	sshll.u32 s5, $0x1;
	s5 =	sadd.s32 s22, s3  }
0x15: {  	[timem:s7], [sflag:s23] =	dma.local [hbm:s5], s21  }
0x16: {  	_ =	swait.ge [sflag:s23], s21  }
0x17: {  	s4 =	ssub.s32 $0x0, s21;
	[sflag:s23] =	ssyncset.done $0x0  }
0x18: {  	[sflag:s23] =	ssyncadd.s32 s4;
	_ =	sdelay $0x1  }
0x19: {  	s24 =	simm.s32 $0x1B8B  }
0x1a: {  	_ =	swait.ge [sflag:s24], $0x1  }
0x1b: {  	[sflag:s24] =	ssyncset.done $0x0  }
0x1c: {  	s26 =	simm.s32 $0x1B8E;
	s25 =	sld [smem:$0x3FFE];
	[sflag:s24] =	ssyncadd.s32 $0xFFFFFFFF  }
0x1d: {  	s27 =	simm.s32 $execute0_lowered;
	[smem:$0x3FD2] =	sst s26  }
0x1e: {  	s5 =	sshll.u32 s27, $0x1;
	_ =	strace $0x80000049;
	[dreg:$0x1] =	wrdreg $0xFFFFFFFF  }
0x1f: {  	s28 =	simm.s32 $_size_execute0_lowered;
	s3 =	sadd.s32 s3, s5;
	[dreg:$0x0] =	wrdreg $0x0  }
0x20: {  	s5 =	sshll.u32 s28, $0x1;
	[dreg:$0x2] =	wrdreg s3  }
0x21: {  	[dreg:$0x3] =	wrdreg s5  }
0x22: {  	[dreg:$0x4] =	wrdreg $0xC0  }
0x23: {  	_ =	task [dreg:s7], $0x5FFFF  }
0x24: {  	[dreg:$0x1] =	wrdreg $0xFFFFFFFF  }
0x25: {  	[dreg:$0x0] =	wrdreg $0x60  }
0x26: {  	[dreg:$0x2] =	wrdreg s25  }
0x27: {  	[dreg:$0x3] =	wrdreg s2  }
0x28: {  	[dreg:$0x4] =	wrdreg $0x9  }
0x29: {  	_ =	task.clear_ibuf [dreg:s7], $0x5FFFF;
	_ =	strace $0x90000049  }
0x2a: {  	s29 =	simm.s32 $0x9;
	_ =	strace $0x8000004B  }
0x2b: {  	_ =	swait.ge [sflag:s29], $0x1  }
0x2c: {  	[sflag:s29] =	ssyncadd.s32 $0xFFFFFFFF  }
0x2d: {  	_ =	strace $0x9000004B  }
0x2e: {  	_ =	sfence  }
0x2f: {  	s30 =	sld [smem:$0x0];
	_ =	sdelay $0x2  }
0x30: {  	s31 =	sshll.u32 s1, $0xD;
	s1 =	sshrl.u32 s1, $0x2  }
0x31: {  	s3 =	sand.u32 $0x4000, s31;
	s1 =	sadd.s32 s1, s30  }
0x32: {  	s0 =	sor.u32 s3, s0;
	s1 =	sshll.u32 s1, $0x11  }
0x33: {  	s0 =	sor.u32 s1, s0  }
0x34: {  	s0 =	sadd.s32 $0x8F2B, s0  }
0x35: {  	[sflag:s0] =	ssyncadd.remote.s32 $0x1  }
0x36: {  	_ =	sfence.sel $0xFFFF  }
0x37: {  	[dreg:$0x0] =	wrdreg $0xFFFFFFFF;
	(pc) =	sbr.abs _section_cstart, $3  }
0x38: {  	[dreg:$0x1] =	wrdreg $0xFFFFFFFF  }
0x39: {  	_ =	task.clear_ibuf [dreg:s7], $0x2FFFF;
	_ =	strace $0x9FFFFFFF  }
0x3a: {  	(tm) =	ssettm $0x7FFFFFFF  }
0x3b: {  	_ =	shalt  }
tec
execute0_lowered:
.L_overlay_start_1:
0x0: {  	(tag) =	ssettag $0x1  }
0x1: {  	s0 =	srdreg.scid  }
0x2: {  	s1 =	sshll.u32 s0, $0x4  }
0x3: {  	s0 =	stileid.u32;
	s1 =	sand.u32 $0x10, s1  }
0x4: {  	s1 =	sor.u32 s0, s1  }
0x5: {  	s6 =	rddreg [dreg:$0x0];
	s4 =	simm.s32 $0x1;
	s2 =	sshll.u32 s1, $0x7  }
0x6: {  	s7 =	simm.s32 $0x2;
	s12 =	simm.s32 $0x0;
	s1 =	ssub.s32 $0x1000, s2  }
0x7: {  	s8 =	simm.s32 $0x8000;
	s13 =	simm.s32 $0x0;
	s3 =	sand.u32 $0xF80, s1  }
0x8: {  	s9 =	simm.s32 $0x0;
	s5 =	sshrl.u32 s1, $0xC;
	p0 =	sne.s32 s3, $0x0  }
.Ltmp0:
0x9: {  	s1 =	rddreg [dreg:$0x2];
	s4 =	simm.s32 @!p0 $0x0;
	(pc) =	sbr.rel .LBB1_1-.Ltmp0, $4  }
0xa: {  	s11 =	simm.s32 $0x0;
	s3 =	rddreg [dreg:$0x1];
	s5 =	sadd.s32 s4, s5  }
0xb: {  	_ =	strace $0x8000004A;
	s4 =	simm.s32 $0x1;
	s5 =	smul.u32 $0xC8, s5  }
0xc: {  	s6 =	sadd.s32 $0xA00, s6;
	s10 =	smov.u32 s2;
	[sflag:s4] =	ssyncpa.u1 $0x0  }
0xd: {  	p0 =	por $0x0, $0x0;
	[sflag:s7] =	ssyncpa.u1 $0x0;
	s7 =	sor.u32 $0x1, s5  }
.LBB1_4:
0xe: {  	s16 =	sshll.u32 s13, $0x3;
	s17 =	sand.u32 $0x78, s13  }
0xf: {  	s30 =	sand.u32 $0x3E00, s13;
	s12 =	sshll.u32 s12, $0xE;
	s16 =	sand.u32 $0xC00, s16  }
0x10: {  	s31 =	sand.u32 $0x7, s13;
	s16 =	sor.u32 s17, s16;
	s17 =	sadd.s32 s3, s30  }
0x11: {  	s13 =	sshll.u32 s31, $0x12;
	s16 =	sshrl.u32 s16, $0x3;
	s12 =	sadd.s32 s12, s17  }
0x12: {  	[tilespmem:s15+$0x0 ss:$0x81] =	vst.msk $0xffff, v0;
	s13 =	sor.u32 $0x400, s13;
	s12 =	sadd.s32 s16, s12  }
0x13: {  	[hbm4b:s12+s13] =	stream.strided.scatter [tilespmem:s14], [sflag:$0x2], $0x1000, s8, s13, $0x20;
	[tilespmem:$0x4040] =	vst v63  }
.LBB1_5:
0x14: {  	s14 =	sadd.s32 $0x1, s9  }
0x15: {  	s12 =	sadd.s32 $0x1000, s10;
	s16 =	smov.u32 s10;
	p2 =	sgt.s32 s14, $0xC7  }
0x16: {  	s16 =	smov.u32 @p2 s12  }
0x17: {  	s14 =	simm.s32 @p2 $0x0;
	p2 =	sgt.s32 s16, $0xFFF  }
0x18: {  	s16 =	smov.u32 @p2 s2;
	p2 =	sne.s32 s11, s7  }
.Ltmp1:
0x19: {  	p1 =	slt.u32 s11, $0x2;
	(pc) =	sbr.rel @!p2 .LBB1_6-.Ltmp1, $4  }
0x1a: {  	s15 =	simm.s32 @!p1 $0x2  }
0x1b: {  	s13 =	smov.u32 s10;
	p0 =	por !p0, !p0;
	_ =	swait.ge @!p1 [sflag:s15], $0x1000  }
0x1c: {  	s12 =	smov.u32 s9;
	[sflag:s15] =	ssyncset.done @!p1 $0x0;
	s9 =	smov.u32 s14  }
0x1d: {  	s11 =	sadd.s32 $0x1, s11;
	[sflag:s15] =	ssyncadd.s32 @!p1 $0xFFFFF000;
	s10 =	smov.u32 s16  }
.LBB1_1:
0x1e: {  	p1 =	sge.u32 s11, s5  }
0x1f: {  	s14 =	sand.u32 @!p1 $0x1FFFFFF, s9  }
0x20: {  	s15 =	smulhi.u32 @!p1 $0x147AE15, s14;
	_ =	sdelay $0x1  }
0x21: {  	s15 =	smul.u32 @!p1 $0xC8, s15  }
0x22: {  	s16 =	sxor.u32 @!p1 $0xFFFFFFFF, s11;
	s17 =	smul.u32 @!p1 $0xC80, s10  }
0x23: {  	s31 =	sadd.s32 $0xFFFFFFFF, s11;
	s16 =	sshll.u32 @!p1 s16, $0xC;
	s14 =	ssub.s32 @!p1 s14, s15  }
0x24: {  	s15 =	sand.u32 @!p1 $0x1000, s16;
	s16 =	sadd.s32 @!p1 s6, s17;
	s14 =	sshll.u32 @!p1 s14, $0x4  }
0x25: {  	s17 =	simm.s32 @!p1 $0x6400;
	s14 =	sadd.s32 @!p1 s14, s16;
	s16 =	simm.s32 @!p1 $0x20  }
0x26: {  	[tilespmem:s15], [sflag:$0x1] =	stream.strided.gather @!p1 [hbm4b:s14+s16], $0x1000, s17, s16, $0x38;
	[tilespmem:$0x4040] =	vst v63  }
0x27: {  	p1 =	sge.u32 s31, s5  }
.Ltmp2:
0x28: {  	_ = 	snop;
	(pc) =	sbr.rel @p1 .LBB1_5-.Ltmp2, $1  }
0x29: {  	_ =	sdelay $0x3  }
0x2a: {  	s14 =	simm.s32 $0x1  }
0x2b: {  	_ =	swait.ge [sflag:s4], $0x1000;
	s14 =	simm.s32 @!p0 $0x0  }
0x2c: {  	[sflag:s4] =	ssyncset.done $0x0;
	s15 =	sshll.u32 s14, $0xC  }
0x2d: {  	[sflag:s4] =	ssyncadd.s32 $0xFFFFF000;
	s18 =	sor.u32 $0x10, s15  }
0x2e: {  	s14 =	smul.u32 $0x4080, s14;
	v1 =	vld [tilespmem:s18+$0x0]  }
0x2f: {  	s30 =	sand.u32 $0x1, s11;
	v0 =	vld [tilespmem:s18+$0xFFFFFFF0]  }
0x30: {  	s15 =	smul.u32 $0x4080, s30;
	s14 =	sshrl.u32 s14, $0x2  }
0x31: {  	s16 =	sor.u32 $0x2000, s14  }
0x32: {  	s31 =	sshrl.u32 s15, $0x2;
	s15 =	sadd.s32 $0x0, s16  }
0x33: {  	s17 =	simm.s32 $0x4;
	s18 =	sadd.s32 $0x20, s18;
	s14 =	sor.u32 $0x2000, s31;
	[tilespmem:s15+$0x810 ss:$0x81] =	vst.msk $0xffff, v1  }
.LBB1_3:
0x34: {  	v1 =	vld [tilespmem:s18+$0x0];
	p1 =	sne.s32 s17, $0x1FC;
	[tilespmem:s15+$0x0 ss:$0x81] =	vst.msk $0xffff, v0;
	s15 =	smov.u32 s17;
	s17 =	sadd.s32 $0x4, s17  }
.Ltmp3:
0x35: {  	v0 =	vld [tilespmem:s18+$0xFFFFFFF0];
	(pc) =	sbr.rel @p1 .LBB1_3-.Ltmp3, $4  }
0x36: {  	_ = 	snop  }
0x37: {  	s15 =	sshra.s32 s15, $0x2  }
0x38: {  	s15 =	sadd.s32 s15, s16  }
0x39: {  	s18 =	sadd.s32 $0x20, s18;
	[tilespmem:s15+$0x810 ss:$0x81] =	vst.msk $0xffff, v1  }
.Ltmp4:
0x3a: {  	_ = 	snop;
	(pc) =	sbr.rel .LBB1_4-.Ltmp4, $1  }
0x3b: {  	_ =	sdelay $0x3  }
.LBB1_6:
0x3c: {  	_ =	sfence.sel $0x180000  }
0x3d: {  	s2 =	simm.s32 $0x1;
	[bflag:$0x0] =	sbarrier.arrive $0xFFFF  }
0x3e: {  	s31 =	simm.s32 $0x2;
	[sflag:s2] =	ssyncpa.u1 $0x1  }
0x3f: {  	[sflag:s31] =	ssyncpa.u1 $0x1  }
0x40: {  	p0 =	sne.s32 s0, $0x0;
	_ =	strace $0x9000004A  }
0x41: {  	s0 =	sadd.s32 @!p0 $0x100000, s1;
	[bflag:$0x2] =	sbarrier.arrive $0xFFFF  }
0x42: {  	[sflag:s0] =	ssyncadd.tile.s32 @!p0 $0x1;
	_ =	shalt  }
.Lfunc_end1:
_tile_overlayer_lowered:
.L_overlay_start_2:
0x43: {  	(tag) =	ssettag $0x2  }
0x44: {  	s0 =	rddreg [dreg:$0x0];
	s2 =	stileid.u32  }
0x45: {  	s1 =	rddreg [dreg:$0x1];
	p0 =	sne.s32 s2, $0x0  }
0x46: {  	s3 =	rddreg [dreg:$0x2];
	[bflag:$0x3] =	sbarrier.arrive $0xFFFF;
	s2 =	simm.s32 @!p0 $0x1C01  }
0x47: {  	[timem:s3], [sflag:s2] =	dma.local @!p0 [hbm:s0], s1  }
0x48: {  	s0 =	simm.s32 @!p0 $0x1  }
0x49: {  	_ =	swait.ge @!p0 [sflag:s0], s1  }
0x4a: {  	s1 =	ssub.s32 @!p0 $0x0, s1;
	[sflag:s0] =	ssyncset.done @!p0 $0x0  }
0x4b: {  	[sflag:s0] =	ssyncadd.s32 @!p0 s1  }
0x4c: {  	[bflag:$0x3] =	sbarrier.arrive $0xFFFF  }
0x4d: {  	_ =	shalt  }

</sc_bundles>
